<compile_context>
chip_gen: v7x
topology: tpu7x:2x2x1
jax: 0.10.2.dev20260603
libtpu: 0.0.44.dev20260713+nightly
codegen_flags: <defaults>
</compile_context>

<pallas_src>
import functools

import jax
import jax.numpy as jnp
from jax import lax
from jax.experimental import pallas as pl
from jax.experimental.pallas import tpu as pltpu
from jax.experimental.pallas import tpu_sc as plsc

_N = 10000
_E = 320000
_F = 128
_H = 66
_G = 64
_HP = 80
_CNT = 66
_NC, _NS = 2, 16
_NW = _NC * _NS
_NP = 10240
_CW = 128
_EP = 327680
_RPW = _EP // _CW // _NW
_RT = _NP // _NS
_K0 = 88

_f32 = jnp.float32


def _seg_body(y, src2, dst2, out, idx_s, idx_d, rows0, rows1, rows2, rows3,
              accum, isem, gsem0, gsem1, gsem2, gsem3):
    c = lax.axis_index("c")
    s = lax.axis_index("s")
    rows = (rows0, rows1, rows2, rows3)
    gsem = (gsem0, gsem1, gsem2, gsem3)

    wbase = s * (2 * _RPW) + c * _K0
    nchunks = _K0 - (2 * _K0 - 2 * _RPW) * c
    _K1 = 2 * _RPW - _K0

    @pl.when(c == 0)
    def _():
        pltpu.async_copy(src2.at[pl.ds(wbase, _K0)], idx_s.at[pl.ds(0, _K0)], isem)
        pltpu.async_copy(dst2.at[pl.ds(wbase, _K0)], idx_d.at[pl.ds(0, _K0)], isem)

    @pl.when(c == 1)
    def _():
        pltpu.async_copy(src2.at[pl.ds(wbase, _K1)], idx_s.at[pl.ds(0, _K1)], isem)
        pltpu.async_copy(dst2.at[pl.ds(wbase, _K1)], idx_d.at[pl.ds(0, _K1)], isem)

    def _zb(i, carry):
        rows0[i // (_HP // 16), pl.ds((i % (_HP // 16)) * 16, 16)] = (
            jnp.zeros((16,), _f32))
        return carry
    lax.fori_loop(0, _CW * (_HP // 16), _zb, 0)
    base = s * _RT
    for t in range(_RT // _CW):
        pltpu.sync_copy(rows0, accum.at[pl.ds(base + t * _CW, _CW)])
    plsc.subcore_barrier()

    @pl.when(c == 0)
    def _():
        pltpu.make_async_copy(src2.at[pl.ds(wbase, _K0)],
                              idx_s.at[pl.ds(0, _K0)], isem).wait()
        pltpu.make_async_copy(dst2.at[pl.ds(wbase, _K0)],
                              idx_d.at[pl.ds(0, _K0)], isem).wait()

    @pl.when(c == 1)
    def _():
        pltpu.make_async_copy(src2.at[pl.ds(wbase, _K1)],
                              idx_s.at[pl.ds(0, _K1)], isem).wait()
        pltpu.make_async_copy(dst2.at[pl.ds(wbase, _K1)],
                              idx_d.at[pl.ds(0, _K1)], isem).wait()

    for b in range(3):
        pltpu.async_copy(y.at[idx_s.at[b]], rows[b], gsem[b])

    def _quad(q, carry):
        for b in range(4):
            cc = 4 * q + b

            @pl.when(cc + 3 < nchunks)
            def _():
                pltpu.async_copy(y.at[idx_s.at[cc + 3]], rows[(b + 3) % 4],
                                 gsem[(b + 3) % 4])
            pltpu.make_async_copy(y.at[idx_s.at[cc]], rows[b], gsem[b]).wait()
            pltpu.sync_copy(rows[b], accum.at[idx_d.at[cc]], add=True)
        return carry
    lax.fori_loop(0, nchunks // 4, _quad, 0)
    plsc.subcore_barrier()

    r0 = s * _RT
    pltpu.sync_copy(accum.at[pl.ds(r0, _RT)], out.at[c, pl.ds(r0, _RT)])


_seg_sum = functools.partial(
    pl.kernel,
    out_type=jax.ShapeDtypeStruct((_NC, _NP, _HP), _f32),
    mesh=plsc.VectorSubcoreMesh(core_axis_name="c", subcore_axis_name="s",
                                num_cores=_NC, num_subcores=_NS),
    compiler_params=pltpu.CompilerParams(use_tc_tiling_on_sc=False),
    scratch_types=[
        pltpu.VMEM((max(_K0, 2 * _RPW - _K0), _CW), jnp.int32),
        pltpu.VMEM((max(_K0, 2 * _RPW - _K0), _CW), jnp.int32),
        pltpu.VMEM((_CW, _HP), _f32),
        pltpu.VMEM((_CW, _HP), _f32),
        pltpu.VMEM((_CW, _HP), _f32),
        pltpu.VMEM((_CW, _HP), _f32),
        pltpu.VMEM_SHARED((_NP, _HP), _f32),
        pltpu.SemaphoreType.DMA,
        pltpu.SemaphoreType.DMA,
        pltpu.SemaphoreType.DMA,
        pltpu.SemaphoreType.DMA,
        pltpu.SemaphoreType.DMA,
    ],
)(_seg_body)


def _fused(p_ref, z_ref, x_ref, sel_ref, wr_ref, ws_ref, b_ref, y_ref, zo_ref):
    sseg = p_ref[0] + p_ref[1]
    e66c = (lax.broadcasted_iota(jnp.int32, (_HP, 1), 0) == _CNT).astype(_f32)
    cnt = jnp.dot(sseg, e66c, preferred_element_type=_f32)
    inv = 1.0 / jnp.maximum(cnt, 1.0)
    h80 = jnp.maximum(sseg * inv + z_ref[...], 0.0)
    h = jnp.concatenate([h80, jnp.zeros((_NP, _F - _HP), _f32)], axis=1)
    sel = sel_ref[0, 0]
    h = sel * x_ref[...] + (1.0 - sel) * h
    e66r = (lax.broadcasted_iota(jnp.int32, (1, _HP), 1) == _CNT).astype(_f32)
    y_ref[...] = jnp.dot(h, wr_ref[...], preferred_element_type=_f32) + e66r
    zo_ref[...] = jnp.dot(h, ws_ref[...], preferred_element_type=_f32) + b_ref[...]


def _pool_head(p_ref, z_ref, bi_ref, m1_ref, wf1_ref, bf1_ref, m2_ref,
               wf2_ref, bf2_ref, o_ref):
    sseg = p_ref[0] + p_ref[1]
    e66c = (lax.broadcasted_iota(jnp.int32, (_HP, 1), 0) == _CNT).astype(_f32)
    cnt = jnp.dot(sseg, e66c, preferred_element_type=_f32)
    inv = 1.0 / jnp.maximum(cnt, 1.0)
    h = jnp.maximum(sseg * inv + z_ref[...], 0.0)
    oh = (bi_ref[...] == lax.broadcasted_iota(jnp.int32, (_NP, _G), 1)).astype(_f32)
    dn = (((0,), (0,)), ((), ()))
    pool = lax.dot_general(oh, h, dn, preferred_element_type=_f32)
    cnt_g = lax.dot_general(oh, jnp.ones((_NP, 1), _f32), dn,
                            preferred_element_type=_f32)
    f = pool * (1.0 / jnp.maximum(cnt_g, 1.0))
    f = f * m1_ref[...] * 2.0
    f = jnp.dot(f, wf1_ref[...], preferred_element_type=_f32) + bf1_ref[...]
    f = jnp.where(f > 0, f, 0.01 * f)
    f = f * m2_ref[...] * 2.0
    f = jnp.dot(f, wf2_ref[...], preferred_element_type=_f32) + bf2_ref[...]
    o_ref[...] = jnp.where(f > 0, f, 0.01 * f)


def _call_fused(p, z, xp, sel, wr, ws, b):
    return pl.pallas_call(
        _fused,
        out_shape=[jax.ShapeDtypeStruct((_NP, _HP), _f32),
                   jax.ShapeDtypeStruct((_NP, _HP), _f32)],
    )(p, z, xp, sel, wr, ws, b)


def _call_pool_head(p, z, bi, m1, wf1, bf1, m2, wf2, bf2):
    return pl.pallas_call(
        _pool_head,
        out_shape=jax.ShapeDtypeStruct((_G, 1), _f32),
    )(p, z, bi, m1, wf1, bf1, m2, wf2, bf2)


def kernel(x, edge_index, batch_idx, W1r, b1, W1s, W2r, b2, W2s, W3r, b3, W3s,
           Wf1, bf1, Wf2, bf2, mask1, mask2):
    xp = jnp.pad(x, ((0, _NP - _N), (0, 0)))
    pad = _N + (jnp.arange(_EP - _E, dtype=jnp.int32) % (_NP - _N))
    src2 = jnp.concatenate([edge_index[0], pad]).reshape(_EP // _CW, _CW)
    dst2 = jnp.concatenate([edge_index[1], pad]).reshape(_EP // _CW, _CW)
    bi = jnp.pad(batch_idx, (0, _NP - _N), constant_values=-1).reshape(_NP, 1)

    def padw(w):
        return jnp.pad(w, ((0, _F - w.shape[0]), (0, _HP - w.shape[1])))
    Wr = jnp.stack([padw(W1r), padw(W2r), padw(W3r)])
    Ws = jnp.stack([padw(W1s), padw(W2s), padw(W3s)])

    def padb(b):
        return jnp.pad(b, (0, _HP - _H)).reshape(1, _HP)
    Bs = jnp.stack([padb(b1), padb(b2), padb(b3)])
    m1p = jnp.pad(mask1, ((0, 0), (0, _HP - _H)))
    wf1p = jnp.pad(Wf1, ((0, _HP - _H), (0, 0)))
    bf1p = bf1.reshape(1, 30)
    bf2p = bf2.reshape(1, 1)

    p0 = jnp.zeros((_NC, _NP, _HP), _f32)
    z0 = jnp.zeros((_NP, _HP), _f32)

    def layer(l, carry):
        p, z = carry
        sel = (l == 0).astype(_f32).reshape(1, 1)
        y, z2 = _call_fused(p, z, xp, sel, Wr[l], Ws[l], Bs[l])
        p2 = _seg_sum(y, src2, dst2)
        return (p2, z2)

    p, z = lax.fori_loop(0, 3, layer, (p0, z0))
    return _call_pool_head(p, z, bi, m1p, wf1p, bf1p, mask2, Wf2, bf2p)

# --- scband reference (transcript-rebuilt; emitter-appended) ---
"""Pipeline reference for scband-model-48447231099388 (READ-ONLY COPY).

The authoritative reference and input builder live on the scoring server;
editing this copy changes nothing except your own understanding.
"""

import jax, jax.numpy as jnp
import numpy as np

N = 10000
E = 320000
F = 128
H = 66
G = 64

def _gconv(x, src, dst, Wr, br, Ws):
    # PyG GraphConv with aggr='mean': out = lin_rel(mean_{j->i} x_j) + lin_root(x_i)
    msg = x[src]
    agg = jax.ops.segment_sum(msg, dst, num_segments=N)
    cnt = jax.ops.segment_sum(jnp.ones((src.shape[0],), x.dtype), dst, num_segments=N)
    agg = agg / jnp.maximum(cnt, 1.0)[:, None]
    return agg @ Wr + br + x @ Ws

def _global_mean_pool(x, batch_idx):
    s = jax.ops.segment_sum(x, batch_idx, num_segments=G)
    c = jax.ops.segment_sum(jnp.ones((x.shape[0],), x.dtype), batch_idx, num_segments=G)
    return s / jnp.maximum(c, 1.0)[:, None]

def setup_inputs(seed: int = 0):
    key = jax.random.key(seed)
    ks = jax.random.split(key, 24)
    x = jax.random.normal(ks[0], (N, F), dtype=jnp.float32)
    edge_index = jax.random.randint(ks[1], (2, E), 0, N, dtype=jnp.int32)
    batch_idx = jnp.sort(jax.random.randint(ks[2], (N,), 0, G, dtype=jnp.int32))
    def lin(k, i, o):
        return (jax.random.normal(k, (i, o), dtype=jnp.float32) * (1.0 / np.sqrt(i)))
    return {
        'x': x,
        'edge_index': edge_index,
        'batch_idx': batch_idx,
        'W1r': lin(ks[3], F, H), 'b1': jnp.zeros((H,), jnp.float32), 'W1s': lin(ks[4], F, H),
        'W2r': lin(ks[5], H, H), 'b2': jnp.zeros((H,), jnp.float32), 'W2s': lin(ks[6], H, H),
        'W3r': lin(ks[7], H, H), 'b3': jnp.zeros((H,), jnp.float32), 'W3s': lin(ks[8], H, H),
        'Wf1': lin(ks[9], H, 30), 'bf1': jnp.zeros((30,), jnp.float32),
        'Wf2': lin(ks[10], 30, 1), 'bf2': jnp.zeros((1,), jnp.float32),
        'mask1': jax.random.bernoulli(ks[11], 0.5, (G, H)).astype(jnp.float32),
        'mask2': jax.random.bernoulli(ks[12], 0.5, (G, 30)).astype(jnp.float32),
    }

def reference(x, edge_index, batch_idx, W1r, b1, W1s, W2r, b2, W2s, W3r, b3, W3s, Wf1, bf1, Wf2, bf2, mask1, mask2):
    src = edge_index[0]
    dst = edge_index[1]
    # GraphFeatureExtract: 3 GraphConv layers + ReLU (no ASAPooling triggered for pool_local=[100,101])
    h = jax.nn.relu(_gconv(x, src, dst, W1r, b1, W1s))
    h = jax.nn.relu(_gconv(h, src, dst, W2r, b2, W2s))
    h = jax.nn.relu(_gconv(h, src, dst, W3r, b3, W3s))
    # single readout -> JumpingKnowledge(cat) is identity on one tensor
    f = _global_mean_pool(h, batch_idx)
    # FCNCell 1: dropout(p=0.5, training=True) -> Linear(66,30) -> LeakyReLU
    f = (f * mask1) * 2.0
    f = jax.nn.leaky_relu(f @ Wf1 + bf1, 0.01)
    # FCNCell 2: dropout -> Linear(30,1) -> LeakyReLU
    f = (f * mask2) * 2.0
    f = jax.nn.leaky_relu(f @ Wf2 + bf2, 0.01)
    return f

if __name__ == "__main__":
    import jax
    _d = setup_inputs()
    print(jax.jit(kernel)(*tuple(_d.values())))

</pallas_src>

<mosaic_0001>
#map = affine_map<(d0, d1) -> (0, 0)>
#map1 = affine_map<(d0, d1) -> (0, 0, 0)>
module attributes {stable_mosaic.version = 14 : i64} {
  func.func @_seg_body(%arg0: i32, %arg1: i32, %arg2: memref<10240x80xf32, #tpu.memory_space<hbm>>, %arg3: memref<2560x128xi32, #tpu.memory_space<hbm>>, %arg4: memref<2560x128xi32, #tpu.memory_space<hbm>>, %arg5: memref<2x10240x80xf32, #tpu.memory_space<hbm>>, %arg6: memref<88x128xi32, #tpu.memory_space<vmem>>, %arg7: memref<88x128xi32, #tpu.memory_space<vmem>>, %arg8: memref<128x80xf32, #tpu.memory_space<vmem>>, %arg9: memref<128x80xf32, #tpu.memory_space<vmem>>, %arg10: memref<128x80xf32, #tpu.memory_space<vmem>>, %arg11: memref<128x80xf32, #tpu.memory_space<vmem>>, %arg12: memref<10240x80xf32, #tpu.memory_space<vmem_shared>>, %arg13: memref<!tpu.dma_semaphore, #tpu.memory_space<semaphore_mem>>, %arg14: memref<!tpu.dma_semaphore, #tpu.memory_space<semaphore_mem>>, %arg15: memref<!tpu.dma_semaphore, #tpu.memory_space<semaphore_mem>>, %arg16: memref<!tpu.dma_semaphore, #tpu.memory_space<semaphore_mem>>, %arg17: memref<!tpu.dma_semaphore, #tpu.memory_space<semaphore_mem>>) attributes {dimension_semantics = [#tpu.dimension_semantics<core_parallel>, #tpu.dimension_semantics<subcore_parallel>], iteration_bounds = array<i64: 2, 16>, scalar_prefetch = 0 : i64, scratch_operands = 12 : i64, tpu.core_type = #tpu.core_type<sc_vector_subcore>, window_params = [{transform_indices = #map}, {transform_indices = #map}, {transform_indices = #map}, {transform_indices = #map1}]} {
    %mul3A = arith.constant 160 : i32
    %mul3A_0 = arith.muli %arg1, %mul3A : i32
    %mul3A_1 = arith.constant 88 : i32
    %mul3A_2 = arith.muli %arg0, %mul3A_1 : i32
    %add3A = arith.addi %mul3A_0, %mul3A_2 : i32
    %mul3A_3 = arith.constant 16 : i32
    %mul3A_4 = arith.muli %mul3A_3, %arg0 : i32
    %sub3A = arith.constant 88 : i32
    %sub3A_5 = arith.subi %sub3A, %mul3A_4 : i32
    %eq3A = arith.constant 0 : i32
    %eq3A_6 = arith.cmpi eq, %arg0, %eq3A : i32
    %convert_element_type3A = arith.extui %eq3A_6 : i1 to i32
    %cond3A = arith.constant 0 : i32
    %cond3A_7 = arith.cmpi ne, %convert_element_type3A, %cond3A : i32
    scf.if %cond3A_7 {
      %dma_start3A_89 = arith.constant 0 : i32
      %dma_start3A_90 = arith.constant 0 : i32
      %dma_start3A_91 = tpu.memref_slice %arg6[%dma_start3A_89, %dma_start3A_90] : memref<88x128xi32, #tpu.memory_space<vmem>> -> memref<88x128xi32, #tpu.memory_space<vmem>>
      %dma_start3A_92 = arith.constant 0 : i32
      %dma_start3A_93 = tpu.memref_slice %arg3[%add3A, %dma_start3A_92] : memref<2560x128xi32, #tpu.memory_space<hbm>> -> memref<88x128xi32, #tpu.memory_space<hbm>>
      %dma_start3A_94 = arith.constant 0 : i32
      %dma_start3A_95 = arith.constant 0 : i32
      %dma_start3A_96 = tpu.memref_slice %arg6[%dma_start3A_94, %dma_start3A_95] : memref<88x128xi32, #tpu.memory_space<vmem>> -> memref<88x128xi32, #tpu.memory_space<vmem>>
      %dma_start3A_97 = arith.constant 0 : i32
      %dma_start3A_98 = tpu.memref_slice %arg3[%add3A, %dma_start3A_97] : memref<2560x128xi32, #tpu.memory_space<hbm>> -> memref<88x128xi32, #tpu.memory_space<hbm>>
      tpu.enqueue_dma source(%dma_start3A_98 : memref<88x128xi32, #tpu.memory_space<hbm>>) target(%dma_start3A_96 : memref<88x128xi32, #tpu.memory_space<vmem>>) target_semaphore(%arg13 : memref<!tpu.dma_semaphore, #tpu.memory_space<semaphore_mem>>)
      %dma_start3A_99 = arith.constant 0 : i32
      %dma_start3A_100 = arith.constant 0 : i32
      %dma_start3A_101 = tpu.memref_slice %arg7[%dma_start3A_99, %dma_start3A_100] : memref<88x128xi32, #tpu.memory_space<vmem>> -> memref<88x128xi32, #tpu.memory_space<vmem>>
      %dma_start3A_102 = arith.constant 0 : i32
      %dma_start3A_103 = tpu.memref_slice %arg4[%add3A, %dma_start3A_102] : memref<2560x128xi32, #tpu.memory_space<hbm>> -> memref<88x128xi32, #tpu.memory_space<hbm>>
      %dma_start3A_104 = arith.constant 0 : i32
      %dma_start3A_105 = arith.constant 0 : i32
      %dma_start3A_106 = tpu.memref_slice %arg7[%dma_start3A_104, %dma_start3A_105] : memref<88x128xi32, #tpu.memory_space<vmem>> -> memref<88x128xi32, #tpu.memory_space<vmem>>
      %dma_start3A_107 = arith.constant 0 : i32
      %dma_start3A_108 = tpu.memref_slice %arg4[%add3A, %dma_start3A_107] : memref<2560x128xi32, #tpu.memory_space<hbm>> -> memref<88x128xi32, #tpu.memory_space<hbm>>
      tpu.enqueue_dma source(%dma_start3A_108 : memref<88x128xi32, #tpu.memory_space<hbm>>) target(%dma_start3A_106 : memref<88x128xi32, #tpu.memory_space<vmem>>) target_semaphore(%arg13 : memref<!tpu.dma_semaphore, #tpu.memory_space<semaphore_mem>>)
    } else {
    }
    %eq3A_8 = arith.constant 1 : i32
    %eq3A_9 = arith.cmpi eq, %arg0, %eq3A_8 : i32
    %convert_element_type3A_10 = arith.extui %eq3A_9 : i1 to i32
    %cond3A_11 = arith.constant 0 : i32
    %cond3A_12 = arith.cmpi ne, %convert_element_type3A_10, %cond3A_11 : i32
    scf.if %cond3A_12 {
      %dma_start3A_89 = arith.constant 0 : i32
      %dma_start3A_90 = arith.constant 0 : i32
      %dma_start3A_91 = tpu.memref_slice %arg6[%dma_start3A_89, %dma_start3A_90] : memref<88x128xi32, #tpu.memory_space<vmem>> -> memref<72x128xi32, #tpu.memory_space<vmem>>
      %dma_start3A_92 = arith.constant 0 : i32
      %dma_start3A_93 = tpu.memref_slice %arg3[%add3A, %dma_start3A_92] : memref<2560x128xi32, #tpu.memory_space<hbm>> -> memref<72x128xi32, #tpu.memory_space<hbm>>
      %dma_start3A_94 = arith.constant 0 : i32
      %dma_start3A_95 = arith.constant 0 : i32
      %dma_start3A_96 = tpu.memref_slice %arg6[%dma_start3A_94, %dma_start3A_95] : memref<88x128xi32, #tpu.memory_space<vmem>> -> memref<72x128xi32, #tpu.memory_space<vmem>>
      %dma_start3A_97 = arith.constant 0 : i32
      %dma_start3A_98 = tpu.memref_slice %arg3[%add3A, %dma_start3A_97] : memref<2560x128xi32, #tpu.memory_space<hbm>> -> memref<72x128xi32, #tpu.memory_space<hbm>>
      tpu.enqueue_dma source(%dma_start3A_98 : memref<72x128xi32, #tpu.memory_space<hbm>>) target(%dma_start3A_96 : memref<72x128xi32, #tpu.memory_space<vmem>>) target_semaphore(%arg13 : memref<!tpu.dma_semaphore, #tpu.memory_space<semaphore_mem>>)
      %dma_start3A_99 = arith.constant 0 : i32
      %dma_start3A_100 = arith.constant 0 : i32
      %dma_start3A_101 = tpu.memref_slice %arg7[%dma_start3A_99, %dma_start3A_100] : memref<88x128xi32, #tpu.memory_space<vmem>> -> memref<72x128xi32, #tpu.memory_space<vmem>>
      %dma_start3A_102 = arith.constant 0 : i32
      %dma_start3A_103 = tpu.memref_slice %arg4[%add3A, %dma_start3A_102] : memref<2560x128xi32, #tpu.memory_space<hbm>> -> memref<72x128xi32, #tpu.memory_space<hbm>>
      %dma_start3A_104 = arith.constant 0 : i32
      %dma_start3A_105 = arith.constant 0 : i32
      %dma_start3A_106 = tpu.memref_slice %arg7[%dma_start3A_104, %dma_start3A_105] : memref<88x128xi32, #tpu.memory_space<vmem>> -> memref<72x128xi32, #tpu.memory_space<vmem>>
      %dma_start3A_107 = arith.constant 0 : i32
      %dma_start3A_108 = tpu.memref_slice %arg4[%add3A, %dma_start3A_107] : memref<2560x128xi32, #tpu.memory_space<hbm>> -> memref<72x128xi32, #tpu.memory_space<hbm>>
      tpu.enqueue_dma source(%dma_start3A_108 : memref<72x128xi32, #tpu.memory_space<hbm>>) target(%dma_start3A_106 : memref<72x128xi32, #tpu.memory_space<vmem>>) target_semaphore(%arg13 : memref<!tpu.dma_semaphore, #tpu.memory_space<semaphore_mem>>)
    } else {
    }
    %scan3A = arith.constant 0 : i32
    %scan3A_13 = arith.constant 0 : i32
    %scan3A_14 = arith.constant 640 : i32
    %scan3A_15 = arith.addi %scan3A_13, %scan3A_14 : i32
    %scan3A_16 = arith.constant 1 : i32
    scf.for %scan3A_89 = %scan3A_13 to %scan3A_15 step %scan3A_16  : i32 {
      %broadcast_in_dim3A = arith.constant 0.000000e+00 : f32
      %broadcast_in_dim3A_90 = vector.broadcast %broadcast_in_dim3A : f32 to vector<16xf32>
      %jit3A_91 = arith.constant 5 : i32
      %div3A_92 = arith.divsi %scan3A_89, %jit3A_91 : i32
      %sign3A_93 = arith.constant 0 : i32
      %sign3A_94 = arith.cmpi sgt, %scan3A_89, %sign3A_93 : i32
      %sign3A_95 = arith.extui %sign3A_94 : i1 to i32
      %sign3A_96 = arith.constant 0 : i32
      %sign3A_97 = arith.cmpi slt, %scan3A_89, %sign3A_96 : i32
      %sign3A_98 = arith.extui %sign3A_97 : i1 to i32
      %sign3A_99 = arith.subi %sign3A_95, %sign3A_98 : i32
      %sign3A_100 = arith.constant 0 : i32
      %sign3A_101 = arith.cmpi sgt, %jit3A_91, %sign3A_100 : i32
      %sign3A_102 = arith.extui %sign3A_101 : i1 to i32
      %sign3A_103 = arith.constant 0 : i32
      %sign3A_104 = arith.cmpi slt, %jit3A_91, %sign3A_103 : i32
      %sign3A_105 = arith.extui %sign3A_104 : i1 to i32
      %sign3A_106 = arith.subi %sign3A_102, %sign3A_105 : i32
      %ne3A_107 = arith.cmpi ne, %sign3A_99, %sign3A_106 : i32
      %rem3A_108 = arith.remsi %scan3A_89, %jit3A_91 : i32
      %ne3A_109 = arith.constant 0 : i32
      %ne3A_110 = arith.cmpi ne, %rem3A_108, %ne3A_109 : i32
      %and3A_111 = arith.andi %ne3A_107, %ne3A_110 : i1
      %sub3A_112 = arith.constant 1 : i32
      %sub3A_113 = arith.subi %div3A_92, %sub3A_112 : i32
      %select_n3A_114 = arith.select %and3A_111, %sub3A_113, %div3A_92 : i32
      %jit3A_115 = arith.constant 5 : i32
      %eq3A_116 = arith.constant 0 : i32
      %eq3A_117 = arith.cmpi eq, %jit3A_115, %eq3A_116 : i32
      %jit3A_118 = arith.constant 1 : i32
      %select_n3A_119 = arith.select %eq3A_117, %jit3A_118, %jit3A_115 : i32
      %rem3A_120 = arith.remsi %scan3A_89, %select_n3A_119 : i32
      %ne3A_121 = arith.constant 0 : i32
      %ne3A_122 = arith.cmpi ne, %rem3A_120, %ne3A_121 : i32
      %lt3A = arith.constant 0 : i32
      %lt3A_123 = arith.cmpi slt, %rem3A_120, %lt3A : i32
      %lt3A_124 = arith.constant 0 : i32
      %lt3A_125 = arith.cmpi slt, %select_n3A_119, %lt3A_124 : i32
      %ne3A_126 = arith.xori %lt3A_123, %lt3A_125 : i1
      %and3A_127 = arith.andi %ne3A_126, %ne3A_122 : i1
      %add3A_128 = arith.addi %rem3A_120, %select_n3A_119 : i32
      %select_n3A_129 = arith.select %and3A_127, %add3A_128, %rem3A_120 : i32
      %mul3A_130 = arith.constant 16 : i32
      %mul3A_131 = arith.muli %select_n3A_129, %mul3A_130 : i32
      %swap3A = arith.index_cast %select_n3A_114 : i32 to index
      %swap3A_132 = arith.index_cast %mul3A_131 : i32 to index
      %swap3A_133 = tpu.vector_load %arg8[%swap3A, %swap3A_132] {strides = array<i32>} : memref<128x80xf32, #tpu.memory_space<vmem>>, vector<1x16xf32>,
      %swap3A_134 = vector.shape_cast %swap3A_133 : vector<1x16xf32> to vector<16xf32>
      %swap3A_135 = vector.shape_cast %broadcast_in_dim3A_90 : vector<16xf32> to vector<1x16xf32>
      tpu.vector_store %arg8[%swap3A, %swap3A_132], %swap3A_135 {strides = array<i32>} : memref<128x80xf32, #tpu.memory_space<vmem>>, vector<1x16xf32>,
    }
    %scan3A_17 = arith.constant 640 : i32
    %mul3A_18 = arith.constant 640 : i32
    %mul3A_19 = arith.muli %arg1, %mul3A_18 : i32
    %add3A_20 = arith.constant 0 : i32
    %add3A_21 = arith.addi %mul3A_19, %add3A_20 : i32
    "tpu.region"() ({
      %run_scoped3A = tpu.sem_alloc : memref<!tpu.dma_semaphore, #tpu.memory_space<semaphore_mem>>
      %dma_start3A_89 = arith.constant 0 : i32
      %dma_start3A_90 = tpu.memref_slice %arg12[%add3A_21, %dma_start3A_89] : memref<10240x80xf32, #tpu.memory_space<vmem_shared>> -> memref<128x80xf32, #tpu.memory_space<vmem_shared>>
      %dma_start3A_91 = arith.constant 0 : i32
      %dma_start3A_92 = tpu.memref_slice %arg12[%add3A_21, %dma_start3A_91] : memref<10240x80xf32, #tpu.memory_space<vmem_shared>> -> memref<128x80xf32, #tpu.memory_space<vmem_shared>>
      tpu.enqueue_dma source(%arg8 : memref<128x80xf32, #tpu.memory_space<vmem>>) target(%dma_start3A_92 : memref<128x80xf32, #tpu.memory_space<vmem_shared>>) target_semaphore(%run_scoped3A : memref<!tpu.dma_semaphore, #tpu.memory_space<semaphore_mem>>)
      %dma_wait3A = arith.constant 0 : i32
      %dma_wait3A_93 = tpu.memref_slice %arg12[%add3A_21, %dma_wait3A] : memref<10240x80xf32, #tpu.memory_space<vmem_shared>> -> memref<128x80xf32, #tpu.memory_space<vmem_shared>>
      %dma_wait3A_94 = arith.constant 0 : i32
      %dma_wait3A_95 = tpu.memref_slice %arg12[%add3A_21, %dma_wait3A_94] : memref<10240x80xf32, #tpu.memory_space<vmem_shared>> -> memref<128x80xf32, #tpu.memory_space<vmem_shared>>
      tpu.wait_dma2 semaphore(%run_scoped3A : memref<!tpu.dma_semaphore, #tpu.memory_space<semaphore_mem>>) src(%arg8 : memref<128x80xf32, #tpu.memory_space<vmem>>) dst(%dma_wait3A_95 : memref<128x80xf32, #tpu.memory_space<vmem_shared>>)
      tpu.yield
    }) : () -> ()
    %add3A_22 = arith.constant 128 : i32
    %add3A_23 = arith.addi %mul3A_19, %add3A_22 : i32
    "tpu.region"() ({
      %run_scoped3A = tpu.sem_alloc : memref<!tpu.dma_semaphore, #tpu.memory_space<semaphore_mem>>
      %dma_start3A_89 = arith.constant 0 : i32
      %dma_start3A_90 = tpu.memref_slice %arg12[%add3A_23, %dma_start3A_89] : memref<10240x80xf32, #tpu.memory_space<vmem_shared>> -> memref<128x80xf32, #tpu.memory_space<vmem_shared>>
      %dma_start3A_91 = arith.constant 0 : i32
      %dma_start3A_92 = tpu.memref_slice %arg12[%add3A_23, %dma_start3A_91] : memref<10240x80xf32, #tpu.memory_space<vmem_shared>> -> memref<128x80xf32, #tpu.memory_space<vmem_shared>>
      tpu.enqueue_dma source(%arg8 : memref<128x80xf32, #tpu.memory_space<vmem>>) target(%dma_start3A_92 : memref<128x80xf32, #tpu.memory_space<vmem_shared>>) target_semaphore(%run_scoped3A : memref<!tpu.dma_semaphore, #tpu.memory_space<semaphore_mem>>)
      %dma_wait3A = arith.constant 0 : i32
      %dma_wait3A_93 = tpu.memref_slice %arg12[%add3A_23, %dma_wait3A] : memref<10240x80xf32, #tpu.memory_space<vmem_shared>> -> memref<128x80xf32, #tpu.memory_space<vmem_shared>>
      %dma_wait3A_94 = arith.constant 0 : i32
      %dma_wait3A_95 = tpu.memref_slice %arg12[%add3A_23, %dma_wait3A_94] : memref<10240x80xf32, #tpu.memory_space<vmem_shared>> -> memref<128x80xf32, #tpu.memory_space<vmem_shared>>
      tpu.wait_dma2 semaphore(%run_scoped3A : memref<!tpu.dma_semaphore, #tpu.memory_space<semaphore_mem>>) src(%arg8 : memref<128x80xf32, #tpu.memory_space<vmem>>) dst(%dma_wait3A_95 : memref<128x80xf32, #tpu.memory_space<vmem_shared>>)
      tpu.yield
    }) : () -> ()
    %add3A_24 = arith.constant 256 : i32
    %add3A_25 = arith.addi %mul3A_19, %add3A_24 : i32
    "tpu.region"() ({
      %run_scoped3A = tpu.sem_alloc : memref<!tpu.dma_semaphore, #tpu.memory_space<semaphore_mem>>
      %dma_start3A_89 = arith.constant 0 : i32
      %dma_start3A_90 = tpu.memref_slice %arg12[%add3A_25, %dma_start3A_89] : memref<10240x80xf32, #tpu.memory_space<vmem_shared>> -> memref<128x80xf32, #tpu.memory_space<vmem_shared>>
      %dma_start3A_91 = arith.constant 0 : i32
      %dma_start3A_92 = tpu.memref_slice %arg12[%add3A_25, %dma_start3A_91] : memref<10240x80xf32, #tpu.memory_space<vmem_shared>> -> memref<128x80xf32, #tpu.memory_space<vmem_shared>>
      tpu.enqueue_dma source(%arg8 : memref<128x80xf32, #tpu.memory_space<vmem>>) target(%dma_start3A_92 : memref<128x80xf32, #tpu.memory_space<vmem_shared>>) target_semaphore(%run_scoped3A : memref<!tpu.dma_semaphore, #tpu.memory_space<semaphore_mem>>)
      %dma_wait3A = arith.constant 0 : i32
      %dma_wait3A_93 = tpu.memref_slice %arg12[%add3A_25, %dma_wait3A] : memref<10240x80xf32, #tpu.memory_space<vmem_shared>> -> memref<128x80xf32, #tpu.memory_space<vmem_shared>>
      %dma_wait3A_94 = arith.constant 0 : i32
      %dma_wait3A_95 = tpu.memref_slice %arg12[%add3A_25, %dma_wait3A_94] : memref<10240x80xf32, #tpu.memory_space<vmem_shared>> -> memref<128x80xf32, #tpu.memory_space<vmem_shared>>
      tpu.wait_dma2 semaphore(%run_scoped3A : memref<!tpu.dma_semaphore, #tpu.memory_space<semaphore_mem>>) src(%arg8 : memref<128x80xf32, #tpu.memory_space<vmem>>) dst(%dma_wait3A_95 : memref<128x80xf32, #tpu.memory_space<vmem_shared>>)
      tpu.yield
    }) : () -> ()
    %add3A_26 = arith.constant 384 : i32
    %add3A_27 = arith.addi %mul3A_19, %add3A_26 : i32
    "tpu.region"() ({
      %run_scoped3A = tpu.sem_alloc : memref<!tpu.dma_semaphore, #tpu.memory_space<semaphore_mem>>
      %dma_start3A_89 = arith.constant 0 : i32
      %dma_start3A_90 = tpu.memref_slice %arg12[%add3A_27, %dma_start3A_89] : memref<10240x80xf32, #tpu.memory_space<vmem_shared>> -> memref<128x80xf32, #tpu.memory_space<vmem_shared>>
      %dma_start3A_91 = arith.constant 0 : i32
      %dma_start3A_92 = tpu.memref_slice %arg12[%add3A_27, %dma_start3A_91] : memref<10240x80xf32, #tpu.memory_space<vmem_shared>> -> memref<128x80xf32, #tpu.memory_space<vmem_shared>>
      tpu.enqueue_dma source(%arg8 : memref<128x80xf32, #tpu.memory_space<vmem>>) target(%dma_start3A_92 : memref<128x80xf32, #tpu.memory_space<vmem_shared>>) target_semaphore(%run_scoped3A : memref<!tpu.dma_semaphore, #tpu.memory_space<semaphore_mem>>)
      %dma_wait3A = arith.constant 0 : i32
      %dma_wait3A_93 = tpu.memref_slice %arg12[%add3A_27, %dma_wait3A] : memref<10240x80xf32, #tpu.memory_space<vmem_shared>> -> memref<128x80xf32, #tpu.memory_space<vmem_shared>>
      %dma_wait3A_94 = arith.constant 0 : i32
      %dma_wait3A_95 = tpu.memref_slice %arg12[%add3A_27, %dma_wait3A_94] : memref<10240x80xf32, #tpu.memory_space<vmem_shared>> -> memref<128x80xf32, #tpu.memory_space<vmem_shared>>
      tpu.wait_dma2 semaphore(%run_scoped3A : memref<!tpu.dma_semaphore, #tpu.memory_space<semaphore_mem>>) src(%arg8 : memref<128x80xf32, #tpu.memory_space<vmem>>) dst(%dma_wait3A_95 : memref<128x80xf32, #tpu.memory_space<vmem_shared>>)
      tpu.yield
    }) : () -> ()
    %add3A_28 = arith.constant 512 : i32
    %add3A_29 = arith.addi %mul3A_19, %add3A_28 : i32
    "tpu.region"() ({
      %run_scoped3A = tpu.sem_alloc : memref<!tpu.dma_semaphore, #tpu.memory_space<semaphore_mem>>
      %dma_start3A_89 = arith.constant 0 : i32
      %dma_start3A_90 = tpu.memref_slice %arg12[%add3A_29, %dma_start3A_89] : memref<10240x80xf32, #tpu.memory_space<vmem_shared>> -> memref<128x80xf32, #tpu.memory_space<vmem_shared>>
      %dma_start3A_91 = arith.constant 0 : i32
      %dma_start3A_92 = tpu.memref_slice %arg12[%add3A_29, %dma_start3A_91] : memref<10240x80xf32, #tpu.memory_space<vmem_shared>> -> memref<128x80xf32, #tpu.memory_space<vmem_shared>>
      tpu.enqueue_dma source(%arg8 : memref<128x80xf32, #tpu.memory_space<vmem>>) target(%dma_start3A_92 : memref<128x80xf32, #tpu.memory_space<vmem_shared>>) target_semaphore(%run_scoped3A : memref<!tpu.dma_semaphore, #tpu.memory_space<semaphore_mem>>)
      %dma_wait3A = arith.constant 0 : i32
      %dma_wait3A_93 = tpu.memref_slice %arg12[%add3A_29, %dma_wait3A] : memref<10240x80xf32, #tpu.memory_space<vmem_shared>> -> memref<128x80xf32, #tpu.memory_space<vmem_shared>>
      %dma_wait3A_94 = arith.constant 0 : i32
      %dma_wait3A_95 = tpu.memref_slice %arg12[%add3A_29, %dma_wait3A_94] : memref<10240x80xf32, #tpu.memory_space<vmem_shared>> -> memref<128x80xf32, #tpu.memory_space<vmem_shared>>
      tpu.wait_dma2 semaphore(%run_scoped3A : memref<!tpu.dma_semaphore, #tpu.memory_space<semaphore_mem>>) src(%arg8 : memref<128x80xf32, #tpu.memory_space<vmem>>) dst(%dma_wait3A_95 : memref<128x80xf32, #tpu.memory_space<vmem_shared>>)
      tpu.yield
    }) : () -> ()
    %barrier3A = arith.constant 0 : index
    tpu.barrier barrier_id(%barrier3A)
    %eq3A_30 = arith.constant 0 : i32
    %eq3A_31 = arith.cmpi eq, %arg0, %eq3A_30 : i32
    %convert_element_type3A_32 = arith.extui %eq3A_31 : i1 to i32
    %cond3A_33 = arith.constant 0 : i32
    %cond3A_34 = arith.cmpi ne, %convert_element_type3A_32, %cond3A_33 : i32
    scf.if %cond3A_34 {
      %dma_wait3A = arith.constant 0 : i32
      %dma_wait3A_89 = arith.constant 0 : i32
      %dma_wait3A_90 = tpu.memref_slice %arg6[%dma_wait3A, %dma_wait3A_89] : memref<88x128xi32, #tpu.memory_space<vmem>> -> memref<88x128xi32, #tpu.memory_space<vmem>>
      %dma_wait3A_91 = arith.constant 0 : i32
      %dma_wait3A_92 = tpu.memref_slice %arg3[%add3A, %dma_wait3A_91] : memref<2560x128xi32, #tpu.memory_space<hbm>> -> memref<88x128xi32, #tpu.memory_space<hbm>>
      %dma_wait3A_93 = arith.constant 0 : i32
      %dma_wait3A_94 = arith.constant 0 : i32
      %dma_wait3A_95 = tpu.memref_slice %arg6[%dma_wait3A_93, %dma_wait3A_94] : memref<88x128xi32, #tpu.memory_space<vmem>> -> memref<88x128xi32, #tpu.memory_space<vmem>>
      %dma_wait3A_96 = arith.constant 0 : i32
      %dma_wait3A_97 = tpu.memref_slice %arg3[%add3A, %dma_wait3A_96] : memref<2560x128xi32, #tpu.memory_space<hbm>> -> memref<88x128xi32, #tpu.memory_space<hbm>>
      tpu.wait_dma2 semaphore(%arg13 : memref<!tpu.dma_semaphore, #tpu.memory_space<semaphore_mem>>) src(%dma_wait3A_97 : memref<88x128xi32, #tpu.memory_space<hbm>>) dst(%dma_wait3A_95 : memref<88x128xi32, #tpu.memory_space<vmem>>)
      %dma_wait3A_98 = arith.constant 0 : i32
      %dma_wait3A_99 = arith.constant 0 : i32
      %dma_wait3A_100 = tpu.memref_slice %arg7[%dma_wait3A_98, %dma_wait3A_99] : memref<88x128xi32, #tpu.memory_space<vmem>> -> memref<88x128xi32, #tpu.memory_space<vmem>>
      %dma_wait3A_101 = arith.constant 0 : i32
      %dma_wait3A_102 = tpu.memref_slice %arg4[%add3A, %dma_wait3A_101] : memref<2560x128xi32, #tpu.memory_space<hbm>> -> memref<88x128xi32, #tpu.memory_space<hbm>>
      %dma_wait3A_103 = arith.constant 0 : i32
      %dma_wait3A_104 = arith.constant 0 : i32
      %dma_wait3A_105 = tpu.memref_slice %arg7[%dma_wait3A_103, %dma_wait3A_104] : memref<88x128xi32, #tpu.memory_space<vmem>> -> memref<88x128xi32, #tpu.memory_space<vmem>>
      %dma_wait3A_106 = arith.constant 0 : i32
      %dma_wait3A_107 = tpu.memref_slice %arg4[%add3A, %dma_wait3A_106] : memref<2560x128xi32, #tpu.memory_space<hbm>> -> memref<88x128xi32, #tpu.memory_space<hbm>>
      tpu.wait_dma2 semaphore(%arg13 : memref<!tpu.dma_semaphore, #tpu.memory_space<semaphore_mem>>) src(%dma_wait3A_107 : memref<88x128xi32, #tpu.memory_space<hbm>>) dst(%dma_wait3A_105 : memref<88x128xi32, #tpu.memory_space<vmem>>)
    } else {
    }
    %eq3A_35 = arith.constant 1 : i32
    %eq3A_36 = arith.cmpi eq, %arg0, %eq3A_35 : i32
    %convert_element_type3A_37 = arith.extui %eq3A_36 : i1 to i32
    %cond3A_38 = arith.constant 0 : i32
    %cond3A_39 = arith.cmpi ne, %convert_element_type3A_37, %cond3A_38 : i32
    scf.if %cond3A_39 {
      %dma_wait3A = arith.constant 0 : i32
      %dma_wait3A_89 = arith.constant 0 : i32
      %dma_wait3A_90 = tpu.memref_slice %arg6[%dma_wait3A, %dma_wait3A_89] : memref<88x128xi32, #tpu.memory_space<vmem>> -> memref<72x128xi32, #tpu.memory_space<vmem>>
      %dma_wait3A_91 = arith.constant 0 : i32
      %dma_wait3A_92 = tpu.memref_slice %arg3[%add3A, %dma_wait3A_91] : memref<2560x128xi32, #tpu.memory_space<hbm>> -> memref<72x128xi32, #tpu.memory_space<hbm>>
      %dma_wait3A_93 = arith.constant 0 : i32
      %dma_wait3A_94 = arith.constant 0 : i32
      %dma_wait3A_95 = tpu.memref_slice %arg6[%dma_wait3A_93, %dma_wait3A_94] : memref<88x128xi32, #tpu.memory_space<vmem>> -> memref<72x128xi32, #tpu.memory_space<vmem>>
      %dma_wait3A_96 = arith.constant 0 : i32
      %dma_wait3A_97 = tpu.memref_slice %arg3[%add3A, %dma_wait3A_96] : memref<2560x128xi32, #tpu.memory_space<hbm>> -> memref<72x128xi32, #tpu.memory_space<hbm>>
      tpu.wait_dma2 semaphore(%arg13 : memref<!tpu.dma_semaphore, #tpu.memory_space<semaphore_mem>>) src(%dma_wait3A_97 : memref<72x128xi32, #tpu.memory_space<hbm>>) dst(%dma_wait3A_95 : memref<72x128xi32, #tpu.memory_space<vmem>>)
      %dma_wait3A_98 = arith.constant 0 : i32
      %dma_wait3A_99 = arith.constant 0 : i32
      %dma_wait3A_100 = tpu.memref_slice %arg7[%dma_wait3A_98, %dma_wait3A_99] : memref<88x128xi32, #tpu.memory_space<vmem>> -> memref<72x128xi32, #tpu.memory_space<vmem>>
      %dma_wait3A_101 = arith.constant 0 : i32
      %dma_wait3A_102 = tpu.memref_slice %arg4[%add3A, %dma_wait3A_101] : memref<2560x128xi32, #tpu.memory_space<hbm>> -> memref<72x128xi32, #tpu.memory_space<hbm>>
      %dma_wait3A_103 = arith.constant 0 : i32
      %dma_wait3A_104 = arith.constant 0 : i32
      %dma_wait3A_105 = tpu.memref_slice %arg7[%dma_wait3A_103, %dma_wait3A_104] : memref<88x128xi32, #tpu.memory_space<vmem>> -> memref<72x128xi32, #tpu.memory_space<vmem>>
      %dma_wait3A_106 = arith.constant 0 : i32
      %dma_wait3A_107 = tpu.memref_slice %arg4[%add3A, %dma_wait3A_106] : memref<2560x128xi32, #tpu.memory_space<hbm>> -> memref<72x128xi32, #tpu.memory_space<hbm>>
      tpu.wait_dma2 semaphore(%arg13 : memref<!tpu.dma_semaphore, #tpu.memory_space<semaphore_mem>>) src(%dma_wait3A_107 : memref<72x128xi32, #tpu.memory_space<hbm>>) dst(%dma_wait3A_105 : memref<72x128xi32, #tpu.memory_space<vmem>>)
    } else {
    }
    %dma_start3A = arith.constant 0 : i32
    %dma_start3A_40 = arith.constant 0 : i32
    %dma_start3A_41 = tpu.memref_slice %arg6[%dma_start3A, %dma_start3A_40] : memref<88x128xi32, #tpu.memory_space<vmem>> -> memref<1x128xi32, #tpu.memory_space<vmem>>
    %dma_start3A_42 = tpu.memref_squeeze %dma_start3A_41 : memref<1x128xi32, #tpu.memory_space<vmem>> -> memref<128xi32, #tpu.memory_space<vmem>>
    %dma_start3A_43 = arith.constant 0 : i32
    %dma_start3A_44 = arith.constant 0 : i32
    %dma_start3A_45 = tpu.memref_slice %arg2[%dma_start3A_43, %dma_start3A_44] : memref<10240x80xf32, #tpu.memory_space<hbm>> -> memref<10240x80xf32, #tpu.memory_space<hbm>>
    tpu.enqueue_indirect_dma source(%dma_start3A_45 : memref<10240x80xf32, #tpu.memory_space<hbm>>) target(%arg8 : memref<128x80xf32, #tpu.memory_space<vmem>>) offsets(%dma_start3A_42 : memref<128xi32, #tpu.memory_space<vmem>>) semaphore(%arg14 : memref<!tpu.dma_semaphore, #tpu.memory_space<semaphore_mem>>)
    %dma_start3A_46 = arith.constant 1 : i32
    %dma_start3A_47 = arith.constant 0 : i32
    %dma_start3A_48 = tpu.memref_slice %arg6[%dma_start3A_46, %dma_start3A_47] : memref<88x128xi32, #tpu.memory_space<vmem>> -> memref<1x128xi32, #tpu.memory_space<vmem>>
    %dma_start3A_49 = tpu.memref_squeeze %dma_start3A_48 : memref<1x128xi32, #tpu.memory_space<vmem>> -> memref<128xi32, #tpu.memory_space<vmem>>
    %dma_start3A_50 = arith.constant 0 : i32
    %dma_start3A_51 = arith.constant 0 : i32
    %dma_start3A_52 = tpu.memref_slice %arg2[%dma_start3A_50, %dma_start3A_51] : memref<10240x80xf32, #tpu.memory_space<hbm>> -> memref<10240x80xf32, #tpu.memory_space<hbm>>
    tpu.enqueue_indirect_dma source(%dma_start3A_52 : memref<10240x80xf32, #tpu.memory_space<hbm>>) target(%arg9 : memref<128x80xf32, #tpu.memory_space<vmem>>) offsets(%dma_start3A_49 : memref<128xi32, #tpu.memory_space<vmem>>) semaphore(%arg15 : memref<!tpu.dma_semaphore, #tpu.memory_space<semaphore_mem>>)
    %dma_start3A_53 = arith.constant 2 : i32
    %dma_start3A_54 = arith.constant 0 : i32
    %dma_start3A_55 = tpu.memref_slice %arg6[%dma_start3A_53, %dma_start3A_54] : memref<88x128xi32, #tpu.memory_space<vmem>> -> memref<1x128xi32, #tpu.memory_space<vmem>>
    %dma_start3A_56 = tpu.memref_squeeze %dma_start3A_55 : memref<1x128xi32, #tpu.memory_space<vmem>> -> memref<128xi32, #tpu.memory_space<vmem>>
    %dma_start3A_57 = arith.constant 0 : i32
    %dma_start3A_58 = arith.constant 0 : i32
    %dma_start3A_59 = tpu.memref_slice %arg2[%dma_start3A_57, %dma_start3A_58] : memref<10240x80xf32, #tpu.memory_space<hbm>> -> memref<10240x80xf32, #tpu.memory_space<hbm>>
    tpu.enqueue_indirect_dma source(%dma_start3A_59 : memref<10240x80xf32, #tpu.memory_space<hbm>>) target(%arg10 : memref<128x80xf32, #tpu.memory_space<vmem>>) offsets(%dma_start3A_56 : memref<128xi32, #tpu.memory_space<vmem>>) semaphore(%arg16 : memref<!tpu.dma_semaphore, #tpu.memory_space<semaphore_mem>>)
    %jit3A = arith.constant 4 : i32
    %div3A = arith.divsi %sub3A_5, %jit3A : i32
    %sign3A = arith.constant 0 : i32
    %sign3A_60 = arith.cmpi sgt, %sub3A_5, %sign3A : i32
    %sign3A_61 = arith.extui %sign3A_60 : i1 to i32
    %sign3A_62 = arith.constant 0 : i32
    %sign3A_63 = arith.cmpi slt, %sub3A_5, %sign3A_62 : i32
    %sign3A_64 = arith.extui %sign3A_63 : i1 to i32
    %sign3A_65 = arith.subi %sign3A_61, %sign3A_64 : i32
    %sign3A_66 = arith.constant 0 : i32
    %sign3A_67 = arith.cmpi sgt, %jit3A, %sign3A_66 : i32
    %sign3A_68 = arith.extui %sign3A_67 : i1 to i32
    %sign3A_69 = arith.constant 0 : i32
    %sign3A_70 = arith.cmpi slt, %jit3A, %sign3A_69 : i32
    %sign3A_71 = arith.extui %sign3A_70 : i1 to i32
    %sign3A_72 = arith.subi %sign3A_68, %sign3A_71 : i32
    %ne3A = arith.cmpi ne, %sign3A_65, %sign3A_72 : i32
    %rem3A = arith.remsi %sub3A_5, %jit3A : i32
    %ne3A_73 = arith.constant 0 : i32
    %ne3A_74 = arith.cmpi ne, %rem3A, %ne3A_73 : i32
    %and3A = arith.andi %ne3A, %ne3A_74 : i1
    %sub3A_75 = arith.constant 1 : i32
    %sub3A_76 = arith.subi %div3A, %sub3A_75 : i32
    %select_n3A = arith.select %and3A, %sub3A_76, %div3A : i32
    %while3A = arith.constant 0 : i32
    %while3A_77 = arith.constant 0 : i32
    %while3A_78 = arith.subi %select_n3A, %while3A_77 : i32
    %while3A_79 = arith.addi %while3A_77, %while3A_78 : i32
    %while3A_80 = arith.constant 1 : i32
    %while3A_81 = arith.divsi %while3A_78, %while3A_80 : i32
    %while3A_82 = arith.muli %while3A_81, %while3A_80 : i32
    %while3A_83 = arith.addi %while3A_77, %while3A_82 : i32
    %while3A_84 = arith.constant 1 : i32
    scf.for %while3A_89 = %while3A_77 to %while3A_83 step %while3A_84  : i32 {
      %mul3A_90 = arith.constant 4 : i32
      %mul3A_91 = arith.muli %mul3A_90, %while3A_89 : i32
      %add3A_92 = arith.constant 0 : i32
      %add3A_93 = arith.addi %mul3A_91, %add3A_92 : i32
      %add3A_94 = arith.constant 3 : i32
      %add3A_95 = arith.addi %add3A_93, %add3A_94 : i32
      %lt3A = arith.cmpi slt, %add3A_95, %sub3A_5 : i32
      %convert_element_type3A_96 = arith.extui %lt3A : i1 to i32
      %cond3A_97 = arith.constant 0 : i32
      %cond3A_98 = arith.cmpi ne, %convert_element_type3A_96, %cond3A_97 : i32
      scf.if %cond3A_98 {
        %add3A_152 = arith.constant 3 : i32
        %add3A_153 = arith.addi %add3A_93, %add3A_152 : i32
        %dma_start3A_154 = arith.constant 0 : i32
        %dma_start3A_155 = tpu.memref_slice %arg6[%add3A_153, %dma_start3A_154] : memref<88x128xi32, #tpu.memory_space<vmem>> -> memref<1x128xi32, #tpu.memory_space<vmem>>
        %dma_start3A_156 = tpu.memref_squeeze %dma_start3A_155 : memref<1x128xi32, #tpu.memory_space<vmem>> -> memref<128xi32, #tpu.memory_space<vmem>>
        %dma_start3A_157 = arith.constant 0 : i32
        %dma_start3A_158 = arith.constant 0 : i32
        %dma_start3A_159 = tpu.memref_slice %arg2[%dma_start3A_157, %dma_start3A_158] : memref<10240x80xf32, #tpu.memory_space<hbm>> -> memref<10240x80xf32, #tpu.memory_space<hbm>>
        tpu.enqueue_indirect_dma source(%dma_start3A_159 : memref<10240x80xf32, #tpu.memory_space<hbm>>) target(%arg11 : memref<128x80xf32, #tpu.memory_space<vmem>>) offsets(%dma_start3A_156 : memref<128xi32, #tpu.memory_space<vmem>>) semaphore(%arg17 : memref<!tpu.dma_semaphore, #tpu.memory_space<semaphore_mem>>)
      } else {
      }
      %dma_wait3A = arith.constant 0 : i32
      %dma_wait3A_99 = tpu.memref_slice %arg6[%add3A_93, %dma_wait3A] : memref<88x128xi32, #tpu.memory_space<vmem>> -> memref<1x128xi32, #tpu.memory_space<vmem>>
      %dma_wait3A_100 = tpu.memref_squeeze %dma_wait3A_99 : memref<1x128xi32, #tpu.memory_space<vmem>> -> memref<128xi32, #tpu.memory_space<vmem>>
      %dma_wait3A_101 = arith.constant 0 : i32
      %dma_wait3A_102 = arith.constant 0 : i32
      %dma_wait3A_103 = tpu.memref_slice %arg2[%dma_wait3A_101, %dma_wait3A_102] : memref<10240x80xf32, #tpu.memory_space<hbm>> -> memref<10240x80xf32, #tpu.memory_space<hbm>>
      tpu.wait_indirect_dma semaphore(%arg14 : memref<!tpu.dma_semaphore, #tpu.memory_space<semaphore_mem>>) src(%dma_wait3A_103 : memref<10240x80xf32, #tpu.memory_space<hbm>>) dst(%arg8 : memref<128x80xf32, #tpu.memory_space<vmem>>)
      "tpu.region"() ({
        %run_scoped3A = tpu.sem_alloc : memref<!tpu.dma_semaphore, #tpu.memory_space<semaphore_mem>>
        %dma_start3A_152 = arith.constant 0 : i32
        %dma_start3A_153 = tpu.memref_slice %arg7[%add3A_93, %dma_start3A_152] : memref<88x128xi32, #tpu.memory_space<vmem>> -> memref<1x128xi32, #tpu.memory_space<vmem>>
        %dma_start3A_154 = tpu.memref_squeeze %dma_start3A_153 : memref<1x128xi32, #tpu.memory_space<vmem>> -> memref<128xi32, #tpu.memory_space<vmem>>
        %dma_start3A_155 = arith.constant 0 : i32
        %dma_start3A_156 = arith.constant 0 : i32
        %dma_start3A_157 = tpu.memref_slice %arg12[%dma_start3A_155, %dma_start3A_156] : memref<10240x80xf32, #tpu.memory_space<vmem_shared>> -> memref<10240x80xf32, #tpu.memory_space<vmem_shared>>
        tpu.enqueue_indirect_dma source(%arg8 : memref<128x80xf32, #tpu.memory_space<vmem>>) target(%dma_start3A_157 : memref<10240x80xf32, #tpu.memory_space<vmem_shared>>) offsets(%dma_start3A_154 : memref<128xi32, #tpu.memory_space<vmem>>) semaphore(%run_scoped3A : memref<!tpu.dma_semaphore, #tpu.memory_space<semaphore_mem>>) {add = true}
        %dma_wait3A_158 = arith.constant 0 : i32
        %dma_wait3A_159 = tpu.memref_slice %arg7[%add3A_93, %dma_wait3A_158] : memref<88x128xi32, #tpu.memory_space<vmem>> -> memref<1x128xi32, #tpu.memory_space<vmem>>
        %dma_wait3A_160 = tpu.memref_squeeze %dma_wait3A_159 : memref<1x128xi32, #tpu.memory_space<vmem>> -> memref<128xi32, #tpu.memory_space<vmem>>
        %dma_wait3A_161 = arith.constant 0 : i32
        %dma_wait3A_162 = arith.constant 0 : i32
        %dma_wait3A_163 = tpu.memref_slice %arg12[%dma_wait3A_161, %dma_wait3A_162] : memref<10240x80xf32, #tpu.memory_space<vmem_shared>> -> memref<10240x80xf32, #tpu.memory_space<vmem_shared>>
        tpu.wait_indirect_dma semaphore(%run_scoped3A : memref<!tpu.dma_semaphore, #tpu.memory_space<semaphore_mem>>) src(%arg8 : memref<128x80xf32, #tpu.memory_space<vmem>>) dst(%dma_wait3A_163 : memref<10240x80xf32, #tpu.memory_space<vmem_shared>>)
        tpu.yield
      }) : () -> ()
      %mul3A_104 = arith.constant 4 : i32
      %mul3A_105 = arith.muli %mul3A_104, %while3A_89 : i32
      %add3A_106 = arith.constant 1 : i32
      %add3A_107 = arith.addi %mul3A_105, %add3A_106 : i32
      %add3A_108 = arith.constant 3 : i32
      %add3A_109 = arith.addi %add3A_107, %add3A_108 : i32
      %lt3A_110 = arith.cmpi slt, %add3A_109, %sub3A_5 : i32
      %convert_element_type3A_111 = arith.extui %lt3A_110 : i1 to i32
      %cond3A_112 = arith.constant 0 : i32
      %cond3A_113 = arith.cmpi ne, %convert_element_type3A_111, %cond3A_112 : i32
      scf.if %cond3A_113 {
        %add3A_152 = arith.constant 3 : i32
        %add3A_153 = arith.addi %add3A_107, %add3A_152 : i32
        %dma_start3A_154 = arith.constant 0 : i32
        %dma_start3A_155 = tpu.memref_slice %arg6[%add3A_153, %dma_start3A_154] : memref<88x128xi32, #tpu.memory_space<vmem>> -> memref<1x128xi32, #tpu.memory_space<vmem>>
        %dma_start3A_156 = tpu.memref_squeeze %dma_start3A_155 : memref<1x128xi32, #tpu.memory_space<vmem>> -> memref<128xi32, #tpu.memory_space<vmem>>
        %dma_start3A_157 = arith.constant 0 : i32
        %dma_start3A_158 = arith.constant 0 : i32
        %dma_start3A_159 = tpu.memref_slice %arg2[%dma_start3A_157, %dma_start3A_158] : memref<10240x80xf32, #tpu.memory_space<hbm>> -> memref<10240x80xf32, #tpu.memory_space<hbm>>
        tpu.enqueue_indirect_dma source(%dma_start3A_159 : memref<10240x80xf32, #tpu.memory_space<hbm>>) target(%arg8 : memref<128x80xf32, #tpu.memory_space<vmem>>) offsets(%dma_start3A_156 : memref<128xi32, #tpu.memory_space<vmem>>) semaphore(%arg14 : memref<!tpu.dma_semaphore, #tpu.memory_space<semaphore_mem>>)
      } else {
      }
      %dma_wait3A_114 = arith.constant 0 : i32
      %dma_wait3A_115 = tpu.memref_slice %arg6[%add3A_107, %dma_wait3A_114] : memref<88x128xi32, #tpu.memory_space<vmem>> -> memref<1x128xi32, #tpu.memory_space<vmem>>
      %dma_wait3A_116 = tpu.memref_squeeze %dma_wait3A_115 : memref<1x128xi32, #tpu.memory_space<vmem>> -> memref<128xi32, #tpu.memory_space<vmem>>
      %dma_wait3A_117 = arith.constant 0 : i32
      %dma_wait3A_118 = arith.constant 0 : i32
      %dma_wait3A_119 = tpu.memref_slice %arg2[%dma_wait3A_117, %dma_wait3A_118] : memref<10240x80xf32, #tpu.memory_space<hbm>> -> memref<10240x80xf32, #tpu.memory_space<hbm>>
      tpu.wait_indirect_dma semaphore(%arg15 : memref<!tpu.dma_semaphore, #tpu.memory_space<semaphore_mem>>) src(%dma_wait3A_119 : memref<10240x80xf32, #tpu.memory_space<hbm>>) dst(%arg9 : memref<128x80xf32, #tpu.memory_space<vmem>>)
      "tpu.region"() ({
        %run_scoped3A = tpu.sem_alloc : memref<!tpu.dma_semaphore, #tpu.memory_space<semaphore_mem>>
        %dma_start3A_152 = arith.constant 0 : i32
        %dma_start3A_153 = tpu.memref_slice %arg7[%add3A_107, %dma_start3A_152] : memref<88x128xi32, #tpu.memory_space<vmem>> -> memref<1x128xi32, #tpu.memory_space<vmem>>
        %dma_start3A_154 = tpu.memref_squeeze %dma_start3A_153 : memref<1x128xi32, #tpu.memory_space<vmem>> -> memref<128xi32, #tpu.memory_space<vmem>>
        %dma_start3A_155 = arith.constant 0 : i32
        %dma_start3A_156 = arith.constant 0 : i32
        %dma_start3A_157 = tpu.memref_slice %arg12[%dma_start3A_155, %dma_start3A_156] : memref<10240x80xf32, #tpu.memory_space<vmem_shared>> -> memref<10240x80xf32, #tpu.memory_space<vmem_shared>>
        tpu.enqueue_indirect_dma source(%arg9 : memref<128x80xf32, #tpu.memory_space<vmem>>) target(%dma_start3A_157 : memref<10240x80xf32, #tpu.memory_space<vmem_shared>>) offsets(%dma_start3A_154 : memref<128xi32, #tpu.memory_space<vmem>>) semaphore(%run_scoped3A : memref<!tpu.dma_semaphore, #tpu.memory_space<semaphore_mem>>) {add = true}
        %dma_wait3A_158 = arith.constant 0 : i32
        %dma_wait3A_159 = tpu.memref_slice %arg7[%add3A_107, %dma_wait3A_158] : memref<88x128xi32, #tpu.memory_space<vmem>> -> memref<1x128xi32, #tpu.memory_space<vmem>>
        %dma_wait3A_160 = tpu.memref_squeeze %dma_wait3A_159 : memref<1x128xi32, #tpu.memory_space<vmem>> -> memref<128xi32, #tpu.memory_space<vmem>>
        %dma_wait3A_161 = arith.constant 0 : i32
        %dma_wait3A_162 = arith.constant 0 : i32
        %dma_wait3A_163 = tpu.memref_slice %arg12[%dma_wait3A_161, %dma_wait3A_162] : memref<10240x80xf32, #tpu.memory_space<vmem_shared>> -> memref<10240x80xf32, #tpu.memory_space<vmem_shared>>
        tpu.wait_indirect_dma semaphore(%run_scoped3A : memref<!tpu.dma_semaphore, #tpu.memory_space<semaphore_mem>>) src(%arg9 : memref<128x80xf32, #tpu.memory_space<vmem>>) dst(%dma_wait3A_163 : memref<10240x80xf32, #tpu.memory_space<vmem_shared>>)
        tpu.yield
      }) : () -> ()
      %mul3A_120 = arith.constant 4 : i32
      %mul3A_121 = arith.muli %mul3A_120, %while3A_89 : i32
      %add3A_122 = arith.constant 2 : i32
      %add3A_123 = arith.addi %mul3A_121, %add3A_122 : i32
      %add3A_124 = arith.constant 3 : i32
      %add3A_125 = arith.addi %add3A_123, %add3A_124 : i32
      %lt3A_126 = arith.cmpi slt, %add3A_125, %sub3A_5 : i32
      %convert_element_type3A_127 = arith.extui %lt3A_126 : i1 to i32
      %cond3A_128 = arith.constant 0 : i32
      %cond3A_129 = arith.cmpi ne, %convert_element_type3A_127, %cond3A_128 : i32
      scf.if %cond3A_129 {
        %add3A_152 = arith.constant 3 : i32
        %add3A_153 = arith.addi %add3A_123, %add3A_152 : i32
        %dma_start3A_154 = arith.constant 0 : i32
        %dma_start3A_155 = tpu.memref_slice %arg6[%add3A_153, %dma_start3A_154] : memref<88x128xi32, #tpu.memory_space<vmem>> -> memref<1x128xi32, #tpu.memory_space<vmem>>
        %dma_start3A_156 = tpu.memref_squeeze %dma_start3A_155 : memref<1x128xi32, #tpu.memory_space<vmem>> -> memref<128xi32, #tpu.memory_space<vmem>>
        %dma_start3A_157 = arith.constant 0 : i32
        %dma_start3A_158 = arith.constant 0 : i32
        %dma_start3A_159 = tpu.memref_slice %arg2[%dma_start3A_157, %dma_start3A_158] : memref<10240x80xf32, #tpu.memory_space<hbm>> -> memref<10240x80xf32, #tpu.memory_space<hbm>>
        tpu.enqueue_indirect_dma source(%dma_start3A_159 : memref<10240x80xf32, #tpu.memory_space<hbm>>) target(%arg9 : memref<128x80xf32, #tpu.memory_space<vmem>>) offsets(%dma_start3A_156 : memref<128xi32, #tpu.memory_space<vmem>>) semaphore(%arg15 : memref<!tpu.dma_semaphore, #tpu.memory_space<semaphore_mem>>)
      } else {
      }
      %dma_wait3A_130 = arith.constant 0 : i32
      %dma_wait3A_131 = tpu.memref_slice %arg6[%add3A_123, %dma_wait3A_130] : memref<88x128xi32, #tpu.memory_space<vmem>> -> memref<1x128xi32, #tpu.memory_space<vmem>>
      %dma_wait3A_132 = tpu.memref_squeeze %dma_wait3A_131 : memref<1x128xi32, #tpu.memory_space<vmem>> -> memref<128xi32, #tpu.memory_space<vmem>>
      %dma_wait3A_133 = arith.constant 0 : i32
      %dma_wait3A_134 = arith.constant 0 : i32
      %dma_wait3A_135 = tpu.memref_slice %arg2[%dma_wait3A_133, %dma_wait3A_134] : memref<10240x80xf32, #tpu.memory_space<hbm>> -> memref<10240x80xf32, #tpu.memory_space<hbm>>
      tpu.wait_indirect_dma semaphore(%arg16 : memref<!tpu.dma_semaphore, #tpu.memory_space<semaphore_mem>>) src(%dma_wait3A_135 : memref<10240x80xf32, #tpu.memory_space<hbm>>) dst(%arg10 : memref<128x80xf32, #tpu.memory_space<vmem>>)
      "tpu.region"() ({
        %run_scoped3A = tpu.sem_alloc : memref<!tpu.dma_semaphore, #tpu.memory_space<semaphore_mem>>
        %dma_start3A_152 = arith.constant 0 : i32
        %dma_start3A_153 = tpu.memref_slice %arg7[%add3A_123, %dma_start3A_152] : memref<88x128xi32, #tpu.memory_space<vmem>> -> memref<1x128xi32, #tpu.memory_space<vmem>>
        %dma_start3A_154 = tpu.memref_squeeze %dma_start3A_153 : memref<1x128xi32, #tpu.memory_space<vmem>> -> memref<128xi32, #tpu.memory_space<vmem>>
        %dma_start3A_155 = arith.constant 0 : i32
        %dma_start3A_156 = arith.constant 0 : i32
        %dma_start3A_157 = tpu.memref_slice %arg12[%dma_start3A_155, %dma_start3A_156] : memref<10240x80xf32, #tpu.memory_space<vmem_shared>> -> memref<10240x80xf32, #tpu.memory_space<vmem_shared>>
        tpu.enqueue_indirect_dma source(%arg10 : memref<128x80xf32, #tpu.memory_space<vmem>>) target(%dma_start3A_157 : memref<10240x80xf32, #tpu.memory_space<vmem_shared>>) offsets(%dma_start3A_154 : memref<128xi32, #tpu.memory_space<vmem>>) semaphore(%run_scoped3A : memref<!tpu.dma_semaphore, #tpu.memory_space<semaphore_mem>>) {add = true}
        %dma_wait3A_158 = arith.constant 0 : i32
        %dma_wait3A_159 = tpu.memref_slice %arg7[%add3A_123, %dma_wait3A_158] : memref<88x128xi32, #tpu.memory_space<vmem>> -> memref<1x128xi32, #tpu.memory_space<vmem>>
        %dma_wait3A_160 = tpu.memref_squeeze %dma_wait3A_159 : memref<1x128xi32, #tpu.memory_space<vmem>> -> memref<128xi32, #tpu.memory_space<vmem>>
        %dma_wait3A_161 = arith.constant 0 : i32
        %dma_wait3A_162 = arith.constant 0 : i32
        %dma_wait3A_163 = tpu.memref_slice %arg12[%dma_wait3A_161, %dma_wait3A_162] : memref<10240x80xf32, #tpu.memory_space<vmem_shared>> -> memref<10240x80xf32, #tpu.memory_space<vmem_shared>>
        tpu.wait_indirect_dma semaphore(%run_scoped3A : memref<!tpu.dma_semaphore, #tpu.memory_space<semaphore_mem>>) src(%arg10 : memref<128x80xf32, #tpu.memory_space<vmem>>) dst(%dma_wait3A_163 : memref<10240x80xf32, #tpu.memory_space<vmem_shared>>)
        tpu.yield
      }) : () -> ()
      %mul3A_136 = arith.constant 4 : i32
      %mul3A_137 = arith.muli %mul3A_136, %while3A_89 : i32
      %add3A_138 = arith.constant 3 : i32
      %add3A_139 = arith.addi %mul3A_137, %add3A_138 : i32
      %add3A_140 = arith.constant 3 : i32
      %add3A_141 = arith.addi %add3A_139, %add3A_140 : i32
      %lt3A_142 = arith.cmpi slt, %add3A_141, %sub3A_5 : i32
      %convert_element_type3A_143 = arith.extui %lt3A_142 : i1 to i32
      %cond3A_144 = arith.constant 0 : i32
      %cond3A_145 = arith.cmpi ne, %convert_element_type3A_143, %cond3A_144 : i32
      scf.if %cond3A_145 {
        %add3A_152 = arith.constant 3 : i32
        %add3A_153 = arith.addi %add3A_139, %add3A_152 : i32
        %dma_start3A_154 = arith.constant 0 : i32
        %dma_start3A_155 = tpu.memref_slice %arg6[%add3A_153, %dma_start3A_154] : memref<88x128xi32, #tpu.memory_space<vmem>> -> memref<1x128xi32, #tpu.memory_space<vmem>>
        %dma_start3A_156 = tpu.memref_squeeze %dma_start3A_155 : memref<1x128xi32, #tpu.memory_space<vmem>> -> memref<128xi32, #tpu.memory_space<vmem>>
        %dma_start3A_157 = arith.constant 0 : i32
        %dma_start3A_158 = arith.constant 0 : i32
        %dma_start3A_159 = tpu.memref_slice %arg2[%dma_start3A_157, %dma_start3A_158] : memref<10240x80xf32, #tpu.memory_space<hbm>> -> memref<10240x80xf32, #tpu.memory_space<hbm>>
        tpu.enqueue_indirect_dma source(%dma_start3A_159 : memref<10240x80xf32, #tpu.memory_space<hbm>>) target(%arg10 : memref<128x80xf32, #tpu.memory_space<vmem>>) offsets(%dma_start3A_156 : memref<128xi32, #tpu.memory_space<vmem>>) semaphore(%arg16 : memref<!tpu.dma_semaphore, #tpu.memory_space<semaphore_mem>>)
      } else {
      }
      %dma_wait3A_146 = arith.constant 0 : i32
      %dma_wait3A_147 = tpu.memref_slice %arg6[%add3A_139, %dma_wait3A_146] : memref<88x128xi32, #tpu.memory_space<vmem>> -> memref<1x128xi32, #tpu.memory_space<vmem>>
      %dma_wait3A_148 = tpu.memref_squeeze %dma_wait3A_147 : memref<1x128xi32, #tpu.memory_space<vmem>> -> memref<128xi32, #tpu.memory_space<vmem>>
      %dma_wait3A_149 = arith.constant 0 : i32
      %dma_wait3A_150 = arith.constant 0 : i32
      %dma_wait3A_151 = tpu.memref_slice %arg2[%dma_wait3A_149, %dma_wait3A_150] : memref<10240x80xf32, #tpu.memory_space<hbm>> -> memref<10240x80xf32, #tpu.memory_space<hbm>>
      tpu.wait_indirect_dma semaphore(%arg17 : memref<!tpu.dma_semaphore, #tpu.memory_space<semaphore_mem>>) src(%dma_wait3A_151 : memref<10240x80xf32, #tpu.memory_space<hbm>>) dst(%arg11 : memref<128x80xf32, #tpu.memory_space<vmem>>)
      "tpu.region"() ({
        %run_scoped3A = tpu.sem_alloc : memref<!tpu.dma_semaphore, #tpu.memory_space<semaphore_mem>>
        %dma_start3A_152 = arith.constant 0 : i32
        %dma_start3A_153 = tpu.memref_slice %arg7[%add3A_139, %dma_start3A_152] : memref<88x128xi32, #tpu.memory_space<vmem>> -> memref<1x128xi32, #tpu.memory_space<vmem>>
        %dma_start3A_154 = tpu.memref_squeeze %dma_start3A_153 : memref<1x128xi32, #tpu.memory_space<vmem>> -> memref<128xi32, #tpu.memory_space<vmem>>
        %dma_start3A_155 = arith.constant 0 : i32
        %dma_start3A_156 = arith.constant 0 : i32
        %dma_start3A_157 = tpu.memref_slice %arg12[%dma_start3A_155, %dma_start3A_156] : memref<10240x80xf32, #tpu.memory_space<vmem_shared>> -> memref<10240x80xf32, #tpu.memory_space<vmem_shared>>
        tpu.enqueue_indirect_dma source(%arg11 : memref<128x80xf32, #tpu.memory_space<vmem>>) target(%dma_start3A_157 : memref<10240x80xf32, #tpu.memory_space<vmem_shared>>) offsets(%dma_start3A_154 : memref<128xi32, #tpu.memory_space<vmem>>) semaphore(%run_scoped3A : memref<!tpu.dma_semaphore, #tpu.memory_space<semaphore_mem>>) {add = true}
        %dma_wait3A_158 = arith.constant 0 : i32
        %dma_wait3A_159 = tpu.memref_slice %arg7[%add3A_139, %dma_wait3A_158] : memref<88x128xi32, #tpu.memory_space<vmem>> -> memref<1x128xi32, #tpu.memory_space<vmem>>
        %dma_wait3A_160 = tpu.memref_squeeze %dma_wait3A_159 : memref<1x128xi32, #tpu.memory_space<vmem>> -> memref<128xi32, #tpu.memory_space<vmem>>
        %dma_wait3A_161 = arith.constant 0 : i32
        %dma_wait3A_162 = arith.constant 0 : i32
        %dma_wait3A_163 = tpu.memref_slice %arg12[%dma_wait3A_161, %dma_wait3A_162] : memref<10240x80xf32, #tpu.memory_space<vmem_shared>> -> memref<10240x80xf32, #tpu.memory_space<vmem_shared>>
        tpu.wait_indirect_dma semaphore(%run_scoped3A : memref<!tpu.dma_semaphore, #tpu.memory_space<semaphore_mem>>) src(%arg11 : memref<128x80xf32, #tpu.memory_space<vmem>>) dst(%dma_wait3A_163 : memref<10240x80xf32, #tpu.memory_space<vmem_shared>>)
        tpu.yield
      }) : () -> ()
    }
    %while3A_85 = arith.constant 1 : i32
    scf.for %while3A_89 = %while3A_83 to %while3A_79 step %while3A_85  : i32 {
      %mul3A_90 = arith.constant 4 : i32
      %mul3A_91 = arith.muli %mul3A_90, %while3A_89 : i32
      %add3A_92 = arith.constant 0 : i32
      %add3A_93 = arith.addi %mul3A_91, %add3A_92 : i32
      %add3A_94 = arith.constant 3 : i32
      %add3A_95 = arith.addi %add3A_93, %add3A_94 : i32
      %lt3A = arith.cmpi slt, %add3A_95, %sub3A_5 : i32
      %convert_element_type3A_96 = arith.extui %lt3A : i1 to i32
      %cond3A_97 = arith.constant 0 : i32
      %cond3A_98 = arith.cmpi ne, %convert_element_type3A_96, %cond3A_97 : i32
      scf.if %cond3A_98 {
        %add3A_152 = arith.constant 3 : i32
        %add3A_153 = arith.addi %add3A_93, %add3A_152 : i32
        %dma_start3A_154 = arith.constant 0 : i32
        %dma_start3A_155 = tpu.memref_slice %arg6[%add3A_153, %dma_start3A_154] : memref<88x128xi32, #tpu.memory_space<vmem>> -> memref<1x128xi32, #tpu.memory_space<vmem>>
        %dma_start3A_156 = tpu.memref_squeeze %dma_start3A_155 : memref<1x128xi32, #tpu.memory_space<vmem>> -> memref<128xi32, #tpu.memory_space<vmem>>
        %dma_start3A_157 = arith.constant 0 : i32
        %dma_start3A_158 = arith.constant 0 : i32
        %dma_start3A_159 = tpu.memref_slice %arg2[%dma_start3A_157, %dma_start3A_158] : memref<10240x80xf32, #tpu.memory_space<hbm>> -> memref<10240x80xf32, #tpu.memory_space<hbm>>
        tpu.enqueue_indirect_dma source(%dma_start3A_159 : memref<10240x80xf32, #tpu.memory_space<hbm>>) target(%arg11 : memref<128x80xf32, #tpu.memory_space<vmem>>) offsets(%dma_start3A_156 : memref<128xi32, #tpu.memory_space<vmem>>) semaphore(%arg17 : memref<!tpu.dma_semaphore, #tpu.memory_space<semaphore_mem>>)
      } else {
      }
      %dma_wait3A = arith.constant 0 : i32
      %dma_wait3A_99 = tpu.memref_slice %arg6[%add3A_93, %dma_wait3A] : memref<88x128xi32, #tpu.memory_space<vmem>> -> memref<1x128xi32, #tpu.memory_space<vmem>>
      %dma_wait3A_100 = tpu.memref_squeeze %dma_wait3A_99 : memref<1x128xi32, #tpu.memory_space<vmem>> -> memref<128xi32, #tpu.memory_space<vmem>>
      %dma_wait3A_101 = arith.constant 0 : i32
      %dma_wait3A_102 = arith.constant 0 : i32
      %dma_wait3A_103 = tpu.memref_slice %arg2[%dma_wait3A_101, %dma_wait3A_102] : memref<10240x80xf32, #tpu.memory_space<hbm>> -> memref<10240x80xf32, #tpu.memory_space<hbm>>
      tpu.wait_indirect_dma semaphore(%arg14 : memref<!tpu.dma_semaphore, #tpu.memory_space<semaphore_mem>>) src(%dma_wait3A_103 : memref<10240x80xf32, #tpu.memory_space<hbm>>) dst(%arg8 : memref<128x80xf32, #tpu.memory_space<vmem>>)
      "tpu.region"() ({
        %run_scoped3A = tpu.sem_alloc : memref<!tpu.dma_semaphore, #tpu.memory_space<semaphore_mem>>
        %dma_start3A_152 = arith.constant 0 : i32
        %dma_start3A_153 = tpu.memref_slice %arg7[%add3A_93, %dma_start3A_152] : memref<88x128xi32, #tpu.memory_space<vmem>> -> memref<1x128xi32, #tpu.memory_space<vmem>>
        %dma_start3A_154 = tpu.memref_squeeze %dma_start3A_153 : memref<1x128xi32, #tpu.memory_space<vmem>> -> memref<128xi32, #tpu.memory_space<vmem>>
        %dma_start3A_155 = arith.constant 0 : i32
        %dma_start3A_156 = arith.constant 0 : i32
        %dma_start3A_157 = tpu.memref_slice %arg12[%dma_start3A_155, %dma_start3A_156] : memref<10240x80xf32, #tpu.memory_space<vmem_shared>> -> memref<10240x80xf32, #tpu.memory_space<vmem_shared>>
        tpu.enqueue_indirect_dma source(%arg8 : memref<128x80xf32, #tpu.memory_space<vmem>>) target(%dma_start3A_157 : memref<10240x80xf32, #tpu.memory_space<vmem_shared>>) offsets(%dma_start3A_154 : memref<128xi32, #tpu.memory_space<vmem>>) semaphore(%run_scoped3A : memref<!tpu.dma_semaphore, #tpu.memory_space<semaphore_mem>>) {add = true}
        %dma_wait3A_158 = arith.constant 0 : i32
        %dma_wait3A_159 = tpu.memref_slice %arg7[%add3A_93, %dma_wait3A_158] : memref<88x128xi32, #tpu.memory_space<vmem>> -> memref<1x128xi32, #tpu.memory_space<vmem>>
        %dma_wait3A_160 = tpu.memref_squeeze %dma_wait3A_159 : memref<1x128xi32, #tpu.memory_space<vmem>> -> memref<128xi32, #tpu.memory_space<vmem>>
        %dma_wait3A_161 = arith.constant 0 : i32
        %dma_wait3A_162 = arith.constant 0 : i32
        %dma_wait3A_163 = tpu.memref_slice %arg12[%dma_wait3A_161, %dma_wait3A_162] : memref<10240x80xf32, #tpu.memory_space<vmem_shared>> -> memref<10240x80xf32, #tpu.memory_space<vmem_shared>>
        tpu.wait_indirect_dma semaphore(%run_scoped3A : memref<!tpu.dma_semaphore, #tpu.memory_space<semaphore_mem>>) src(%arg8 : memref<128x80xf32, #tpu.memory_space<vmem>>) dst(%dma_wait3A_163 : memref<10240x80xf32, #tpu.memory_space<vmem_shared>>)
        tpu.yield
      }) : () -> ()
      %mul3A_104 = arith.constant 4 : i32
      %mul3A_105 = arith.muli %mul3A_104, %while3A_89 : i32
      %add3A_106 = arith.constant 1 : i32
      %add3A_107 = arith.addi %mul3A_105, %add3A_106 : i32
      %add3A_108 = arith.constant 3 : i32
      %add3A_109 = arith.addi %add3A_107, %add3A_108 : i32
      %lt3A_110 = arith.cmpi slt, %add3A_109, %sub3A_5 : i32
      %convert_element_type3A_111 = arith.extui %lt3A_110 : i1 to i32
      %cond3A_112 = arith.constant 0 : i32
      %cond3A_113 = arith.cmpi ne, %convert_element_type3A_111, %cond3A_112 : i32
      scf.if %cond3A_113 {
        %add3A_152 = arith.constant 3 : i32
        %add3A_153 = arith.addi %add3A_107, %add3A_152 : i32
        %dma_start3A_154 = arith.constant 0 : i32
        %dma_start3A_155 = tpu.memref_slice %arg6[%add3A_153, %dma_start3A_154] : memref<88x128xi32, #tpu.memory_space<vmem>> -> memref<1x128xi32, #tpu.memory_space<vmem>>
        %dma_start3A_156 = tpu.memref_squeeze %dma_start3A_155 : memref<1x128xi32, #tpu.memory_space<vmem>> -> memref<128xi32, #tpu.memory_space<vmem>>
        %dma_start3A_157 = arith.constant 0 : i32
        %dma_start3A_158 = arith.constant 0 : i32
        %dma_start3A_159 = tpu.memref_slice %arg2[%dma_start3A_157, %dma_start3A_158] : memref<10240x80xf32, #tpu.memory_space<hbm>> -> memref<10240x80xf32, #tpu.memory_space<hbm>>
        tpu.enqueue_indirect_dma source(%dma_start3A_159 : memref<10240x80xf32, #tpu.memory_space<hbm>>) target(%arg8 : memref<128x80xf32, #tpu.memory_space<vmem>>) offsets(%dma_start3A_156 : memref<128xi32, #tpu.memory_space<vmem>>) semaphore(%arg14 : memref<!tpu.dma_semaphore, #tpu.memory_space<semaphore_mem>>)
      } else {
      }
      %dma_wait3A_114 = arith.constant 0 : i32
      %dma_wait3A_115 = tpu.memref_slice %arg6[%add3A_107, %dma_wait3A_114] : memref<88x128xi32, #tpu.memory_space<vmem>> -> memref<1x128xi32, #tpu.memory_space<vmem>>
      %dma_wait3A_116 = tpu.memref_squeeze %dma_wait3A_115 : memref<1x128xi32, #tpu.memory_space<vmem>> -> memref<128xi32, #tpu.memory_space<vmem>>
      %dma_wait3A_117 = arith.constant 0 : i32
      %dma_wait3A_118 = arith.constant 0 : i32
      %dma_wait3A_119 = tpu.memref_slice %arg2[%dma_wait3A_117, %dma_wait3A_118] : memref<10240x80xf32, #tpu.memory_space<hbm>> -> memref<10240x80xf32, #tpu.memory_space<hbm>>
      tpu.wait_indirect_dma semaphore(%arg15 : memref<!tpu.dma_semaphore, #tpu.memory_space<semaphore_mem>>) src(%dma_wait3A_119 : memref<10240x80xf32, #tpu.memory_space<hbm>>) dst(%arg9 : memref<128x80xf32, #tpu.memory_space<vmem>>)
      "tpu.region"() ({
        %run_scoped3A = tpu.sem_alloc : memref<!tpu.dma_semaphore, #tpu.memory_space<semaphore_mem>>
        %dma_start3A_152 = arith.constant 0 : i32
        %dma_start3A_153 = tpu.memref_slice %arg7[%add3A_107, %dma_start3A_152] : memref<88x128xi32, #tpu.memory_space<vmem>> -> memref<1x128xi32, #tpu.memory_space<vmem>>
        %dma_start3A_154 = tpu.memref_squeeze %dma_start3A_153 : memref<1x128xi32, #tpu.memory_space<vmem>> -> memref<128xi32, #tpu.memory_space<vmem>>
        %dma_start3A_155 = arith.constant 0 : i32
        %dma_start3A_156 = arith.constant 0 : i32
        %dma_start3A_157 = tpu.memref_slice %arg12[%dma_start3A_155, %dma_start3A_156] : memref<10240x80xf32, #tpu.memory_space<vmem_shared>> -> memref<10240x80xf32, #tpu.memory_space<vmem_shared>>
        tpu.enqueue_indirect_dma source(%arg9 : memref<128x80xf32, #tpu.memory_space<vmem>>) target(%dma_start3A_157 : memref<10240x80xf32, #tpu.memory_space<vmem_shared>>) offsets(%dma_start3A_154 : memref<128xi32, #tpu.memory_space<vmem>>) semaphore(%run_scoped3A : memref<!tpu.dma_semaphore, #tpu.memory_space<semaphore_mem>>) {add = true}
        %dma_wait3A_158 = arith.constant 0 : i32
        %dma_wait3A_159 = tpu.memref_slice %arg7[%add3A_107, %dma_wait3A_158] : memref<88x128xi32, #tpu.memory_space<vmem>> -> memref<1x128xi32, #tpu.memory_space<vmem>>
        %dma_wait3A_160 = tpu.memref_squeeze %dma_wait3A_159 : memref<1x128xi32, #tpu.memory_space<vmem>> -> memref<128xi32, #tpu.memory_space<vmem>>
        %dma_wait3A_161 = arith.constant 0 : i32
        %dma_wait3A_162 = arith.constant 0 : i32
        %dma_wait3A_163 = tpu.memref_slice %arg12[%dma_wait3A_161, %dma_wait3A_162] : memref<10240x80xf32, #tpu.memory_space<vmem_shared>> -> memref<10240x80xf32, #tpu.memory_space<vmem_shared>>
        tpu.wait_indirect_dma semaphore(%run_scoped3A : memref<!tpu.dma_semaphore, #tpu.memory_space<semaphore_mem>>) src(%arg9 : memref<128x80xf32, #tpu.memory_space<vmem>>) dst(%dma_wait3A_163 : memref<10240x80xf32, #tpu.memory_space<vmem_shared>>)
        tpu.yield
      }) : () -> ()
      %mul3A_120 = arith.constant 4 : i32
      %mul3A_121 = arith.muli %mul3A_120, %while3A_89 : i32
      %add3A_122 = arith.constant 2 : i32
      %add3A_123 = arith.addi %mul3A_121, %add3A_122 : i32
      %add3A_124 = arith.constant 3 : i32
      %add3A_125 = arith.addi %add3A_123, %add3A_124 : i32
      %lt3A_126 = arith.cmpi slt, %add3A_125, %sub3A_5 : i32
      %convert_element_type3A_127 = arith.extui %lt3A_126 : i1 to i32
      %cond3A_128 = arith.constant 0 : i32
      %cond3A_129 = arith.cmpi ne, %convert_element_type3A_127, %cond3A_128 : i32
      scf.if %cond3A_129 {
        %add3A_152 = arith.constant 3 : i32
        %add3A_153 = arith.addi %add3A_123, %add3A_152 : i32
        %dma_start3A_154 = arith.constant 0 : i32
        %dma_start3A_155 = tpu.memref_slice %arg6[%add3A_153, %dma_start3A_154] : memref<88x128xi32, #tpu.memory_space<vmem>> -> memref<1x128xi32, #tpu.memory_space<vmem>>
        %dma_start3A_156 = tpu.memref_squeeze %dma_start3A_155 : memref<1x128xi32, #tpu.memory_space<vmem>> -> memref<128xi32, #tpu.memory_space<vmem>>
        %dma_start3A_157 = arith.constant 0 : i32
        %dma_start3A_158 = arith.constant 0 : i32
        %dma_start3A_159 = tpu.memref_slice %arg2[%dma_start3A_157, %dma_start3A_158] : memref<10240x80xf32, #tpu.memory_space<hbm>> -> memref<10240x80xf32, #tpu.memory_space<hbm>>
        tpu.enqueue_indirect_dma source(%dma_start3A_159 : memref<10240x80xf32, #tpu.memory_space<hbm>>) target(%arg9 : memref<128x80xf32, #tpu.memory_space<vmem>>) offsets(%dma_start3A_156 : memref<128xi32, #tpu.memory_space<vmem>>) semaphore(%arg15 : memref<!tpu.dma_semaphore, #tpu.memory_space<semaphore_mem>>)
      } else {
      }
      %dma_wait3A_130 = arith.constant 0 : i32
      %dma_wait3A_131 = tpu.memref_slice %arg6[%add3A_123, %dma_wait3A_130] : memref<88x128xi32, #tpu.memory_space<vmem>> -> memref<1x128xi32, #tpu.memory_space<vmem>>
      %dma_wait3A_132 = tpu.memref_squeeze %dma_wait3A_131 : memref<1x128xi32, #tpu.memory_space<vmem>> -> memref<128xi32, #tpu.memory_space<vmem>>
      %dma_wait3A_133 = arith.constant 0 : i32
      %dma_wait3A_134 = arith.constant 0 : i32
      %dma_wait3A_135 = tpu.memref_slice %arg2[%dma_wait3A_133, %dma_wait3A_134] : memref<10240x80xf32, #tpu.memory_space<hbm>> -> memref<10240x80xf32, #tpu.memory_space<hbm>>
      tpu.wait_indirect_dma semaphore(%arg16 : memref<!tpu.dma_semaphore, #tpu.memory_space<semaphore_mem>>) src(%dma_wait3A_135 : memref<10240x80xf32, #tpu.memory_space<hbm>>) dst(%arg10 : memref<128x80xf32, #tpu.memory_space<vmem>>)
      "tpu.region"() ({
        %run_scoped3A = tpu.sem_alloc : memref<!tpu.dma_semaphore, #tpu.memory_space<semaphore_mem>>
        %dma_start3A_152 = arith.constant 0 : i32
        %dma_start3A_153 = tpu.memref_slice %arg7[%add3A_123, %dma_start3A_152] : memref<88x128xi32, #tpu.memory_space<vmem>> -> memref<1x128xi32, #tpu.memory_space<vmem>>
        %dma_start3A_154 = tpu.memref_squeeze %dma_start3A_153 : memref<1x128xi32, #tpu.memory_space<vmem>> -> memref<128xi32, #tpu.memory_space<vmem>>
        %dma_start3A_155 = arith.constant 0 : i32
        %dma_start3A_156 = arith.constant 0 : i32
        %dma_start3A_157 = tpu.memref_slice %arg12[%dma_start3A_155, %dma_start3A_156] : memref<10240x80xf32, #tpu.memory_space<vmem_shared>> -> memref<10240x80xf32, #tpu.memory_space<vmem_shared>>
        tpu.enqueue_indirect_dma source(%arg10 : memref<128x80xf32, #tpu.memory_space<vmem>>) target(%dma_start3A_157 : memref<10240x80xf32, #tpu.memory_space<vmem_shared>>) offsets(%dma_start3A_154 : memref<128xi32, #tpu.memory_space<vmem>>) semaphore(%run_scoped3A : memref<!tpu.dma_semaphore, #tpu.memory_space<semaphore_mem>>) {add = true}
        %dma_wait3A_158 = arith.constant 0 : i32
        %dma_wait3A_159 = tpu.memref_slice %arg7[%add3A_123, %dma_wait3A_158] : memref<88x128xi32, #tpu.memory_space<vmem>> -> memref<1x128xi32, #tpu.memory_space<vmem>>
        %dma_wait3A_160 = tpu.memref_squeeze %dma_wait3A_159 : memref<1x128xi32, #tpu.memory_space<vmem>> -> memref<128xi32, #tpu.memory_space<vmem>>
        %dma_wait3A_161 = arith.constant 0 : i32
        %dma_wait3A_162 = arith.constant 0 : i32
        %dma_wait3A_163 = tpu.memref_slice %arg12[%dma_wait3A_161, %dma_wait3A_162] : memref<10240x80xf32, #tpu.memory_space<vmem_shared>> -> memref<10240x80xf32, #tpu.memory_space<vmem_shared>>
        tpu.wait_indirect_dma semaphore(%run_scoped3A : memref<!tpu.dma_semaphore, #tpu.memory_space<semaphore_mem>>) src(%arg10 : memref<128x80xf32, #tpu.memory_space<vmem>>) dst(%dma_wait3A_163 : memref<10240x80xf32, #tpu.memory_space<vmem_shared>>)
        tpu.yield
      }) : () -> ()
      %mul3A_136 = arith.constant 4 : i32
      %mul3A_137 = arith.muli %mul3A_136, %while3A_89 : i32
      %add3A_138 = arith.constant 3 : i32
      %add3A_139 = arith.addi %mul3A_137, %add3A_138 : i32
      %add3A_140 = arith.constant 3 : i32
      %add3A_141 = arith.addi %add3A_139, %add3A_140 : i32
      %lt3A_142 = arith.cmpi slt, %add3A_141, %sub3A_5 : i32
      %convert_element_type3A_143 = arith.extui %lt3A_142 : i1 to i32
      %cond3A_144 = arith.constant 0 : i32
      %cond3A_145 = arith.cmpi ne, %convert_element_type3A_143, %cond3A_144 : i32
      scf.if %cond3A_145 {
        %add3A_152 = arith.constant 3 : i32
        %add3A_153 = arith.addi %add3A_139, %add3A_152 : i32
        %dma_start3A_154 = arith.constant 0 : i32
        %dma_start3A_155 = tpu.memref_slice %arg6[%add3A_153, %dma_start3A_154] : memref<88x128xi32, #tpu.memory_space<vmem>> -> memref<1x128xi32, #tpu.memory_space<vmem>>
        %dma_start3A_156 = tpu.memref_squeeze %dma_start3A_155 : memref<1x128xi32, #tpu.memory_space<vmem>> -> memref<128xi32, #tpu.memory_space<vmem>>
        %dma_start3A_157 = arith.constant 0 : i32
        %dma_start3A_158 = arith.constant 0 : i32
        %dma_start3A_159 = tpu.memref_slice %arg2[%dma_start3A_157, %dma_start3A_158] : memref<10240x80xf32, #tpu.memory_space<hbm>> -> memref<10240x80xf32, #tpu.memory_space<hbm>>
        tpu.enqueue_indirect_dma source(%dma_start3A_159 : memref<10240x80xf32, #tpu.memory_space<hbm>>) target(%arg10 : memref<128x80xf32, #tpu.memory_space<vmem>>) offsets(%dma_start3A_156 : memref<128xi32, #tpu.memory_space<vmem>>) semaphore(%arg16 : memref<!tpu.dma_semaphore, #tpu.memory_space<semaphore_mem>>)
      } else {
      }
      %dma_wait3A_146 = arith.constant 0 : i32
      %dma_wait3A_147 = tpu.memref_slice %arg6[%add3A_139, %dma_wait3A_146] : memref<88x128xi32, #tpu.memory_space<vmem>> -> memref<1x128xi32, #tpu.memory_space<vmem>>
      %dma_wait3A_148 = tpu.memref_squeeze %dma_wait3A_147 : memref<1x128xi32, #tpu.memory_space<vmem>> -> memref<128xi32, #tpu.memory_space<vmem>>
      %dma_wait3A_149 = arith.constant 0 : i32
      %dma_wait3A_150 = arith.constant 0 : i32
      %dma_wait3A_151 = tpu.memref_slice %arg2[%dma_wait3A_149, %dma_wait3A_150] : memref<10240x80xf32, #tpu.memory_space<hbm>> -> memref<10240x80xf32, #tpu.memory_space<hbm>>
      tpu.wait_indirect_dma semaphore(%arg17 : memref<!tpu.dma_semaphore, #tpu.memory_space<semaphore_mem>>) src(%dma_wait3A_151 : memref<10240x80xf32, #tpu.memory_space<hbm>>) dst(%arg11 : memref<128x80xf32, #tpu.memory_space<vmem>>)
      "tpu.region"() ({
        %run_scoped3A = tpu.sem_alloc : memref<!tpu.dma_semaphore, #tpu.memory_space<semaphore_mem>>
        %dma_start3A_152 = arith.constant 0 : i32
        %dma_start3A_153 = tpu.memref_slice %arg7[%add3A_139, %dma_start3A_152] : memref<88x128xi32, #tpu.memory_space<vmem>> -> memref<1x128xi32, #tpu.memory_space<vmem>>
        %dma_start3A_154 = tpu.memref_squeeze %dma_start3A_153 : memref<1x128xi32, #tpu.memory_space<vmem>> -> memref<128xi32, #tpu.memory_space<vmem>>
        %dma_start3A_155 = arith.constant 0 : i32
        %dma_start3A_156 = arith.constant 0 : i32
        %dma_start3A_157 = tpu.memref_slice %arg12[%dma_start3A_155, %dma_start3A_156] : memref<10240x80xf32, #tpu.memory_space<vmem_shared>> -> memref<10240x80xf32, #tpu.memory_space<vmem_shared>>
        tpu.enqueue_indirect_dma source(%arg11 : memref<128x80xf32, #tpu.memory_space<vmem>>) target(%dma_start3A_157 : memref<10240x80xf32, #tpu.memory_space<vmem_shared>>) offsets(%dma_start3A_154 : memref<128xi32, #tpu.memory_space<vmem>>) semaphore(%run_scoped3A : memref<!tpu.dma_semaphore, #tpu.memory_space<semaphore_mem>>) {add = true}
        %dma_wait3A_158 = arith.constant 0 : i32
        %dma_wait3A_159 = tpu.memref_slice %arg7[%add3A_139, %dma_wait3A_158] : memref<88x128xi32, #tpu.memory_space<vmem>> -> memref<1x128xi32, #tpu.memory_space<vmem>>
        %dma_wait3A_160 = tpu.memref_squeeze %dma_wait3A_159 : memref<1x128xi32, #tpu.memory_space<vmem>> -> memref<128xi32, #tpu.memory_space<vmem>>
        %dma_wait3A_161 = arith.constant 0 : i32
        %dma_wait3A_162 = arith.constant 0 : i32
        %dma_wait3A_163 = tpu.memref_slice %arg12[%dma_wait3A_161, %dma_wait3A_162] : memref<10240x80xf32, #tpu.memory_space<vmem_shared>> -> memref<10240x80xf32, #tpu.memory_space<vmem_shared>>
        tpu.wait_indirect_dma semaphore(%run_scoped3A : memref<!tpu.dma_semaphore, #tpu.memory_space<semaphore_mem>>) src(%arg11 : memref<128x80xf32, #tpu.memory_space<vmem>>) dst(%dma_wait3A_163 : memref<10240x80xf32, #tpu.memory_space<vmem_shared>>)
        tpu.yield
      }) : () -> ()
    }
    %barrier3A_86 = arith.constant 0 : index
    tpu.barrier barrier_id(%barrier3A_86)
    %mul3A_87 = arith.constant 640 : i32
    %mul3A_88 = arith.muli %arg1, %mul3A_87 : i32
    "tpu.region"() ({
      %run_scoped3A = tpu.sem_alloc : memref<!tpu.dma_semaphore, #tpu.memory_space<semaphore_mem>>
      %dma_start3A_89 = arith.constant 0 : i32
      %dma_start3A_90 = tpu.memref_slice %arg5[%arg0, %mul3A_88, %dma_start3A_89] : memref<2x10240x80xf32, #tpu.memory_space<hbm>> -> memref<1x640x80xf32, #tpu.memory_space<hbm>>
      %dma_start3A_91 = tpu.memref_squeeze %dma_start3A_90 : memref<1x640x80xf32, #tpu.memory_space<hbm>> -> memref<640x80xf32, #tpu.memory_space<hbm>>
      %dma_start3A_92 = arith.constant 0 : i32
      %dma_start3A_93 = tpu.memref_slice %arg12[%mul3A_88, %dma_start3A_92] : memref<10240x80xf32, #tpu.memory_space<vmem_shared>> -> memref<640x80xf32, #tpu.memory_space<vmem_shared>>
      tpu.enqueue_dma source(%dma_start3A_93 : memref<640x80xf32, #tpu.memory_space<vmem_shared>>) target(%dma_start3A_91 : memref<640x80xf32, #tpu.memory_space<hbm>>) target_semaphore(%run_scoped3A : memref<!tpu.dma_semaphore, #tpu.memory_space<semaphore_mem>>)
      %dma_wait3A = arith.constant 0 : i32
      %dma_wait3A_94 = tpu.memref_slice %arg5[%arg0, %mul3A_88, %dma_wait3A] : memref<2x10240x80xf32, #tpu.memory_space<hbm>> -> memref<1x640x80xf32, #tpu.memory_space<hbm>>
      %dma_wait3A_95 = tpu.memref_squeeze %dma_wait3A_94 : memref<1x640x80xf32, #tpu.memory_space<hbm>> -> memref<640x80xf32, #tpu.memory_space<hbm>>
      %dma_wait3A_96 = arith.constant 0 : i32
      %dma_wait3A_97 = tpu.memref_slice %arg12[%mul3A_88, %dma_wait3A_96] : memref<10240x80xf32, #tpu.memory_space<vmem_shared>> -> memref<640x80xf32, #tpu.memory_space<vmem_shared>>
      tpu.wait_dma2 semaphore(%run_scoped3A : memref<!tpu.dma_semaphore, #tpu.memory_space<semaphore_mem>>) src(%dma_wait3A_97 : memref<640x80xf32, #tpu.memory_space<vmem_shared>>) dst(%dma_wait3A_95 : memref<640x80xf32, #tpu.memory_space<hbm>>)
      tpu.yield
    }) : () -> ()
    return
  }
}

module attributes {stable_mosaic.version = 14 : i64} {
  func.func @_fused(%arg0: memref<2x10240x80xf32, #tpu.memory_space<vmem>>, %arg1: memref<10240x80xf32, #tpu.memory_space<vmem>>, %arg2: memref<10240x128xf32, #tpu.memory_space<vmem>>, %arg3: memref<1x1xf32, #tpu.memory_space<vmem>>, %arg4: memref<128x80xf32, #tpu.memory_space<vmem>>, %arg5: memref<128x80xf32, #tpu.memory_space<vmem>>, %arg6: memref<1x80xf32, #tpu.memory_space<vmem>>, %arg7: memref<10240x80xf32, #tpu.memory_space<vmem>>, %arg8: memref<10240x80xf32, #tpu.memory_space<vmem>>) attributes {dimension_semantics = [], scalar_prefetch = 0 : i64, scratch_operands = 0 : i64, tpu.core_type = #tpu.core_type<tc>} {
    %get3A = arith.constant 0 : index
    %get3A_0 = arith.constant 0 : index
    %get3A_1 = arith.constant 0 : index
    %get3A_2 = vector.load %arg0[%get3A, %get3A_0, %get3A_1] : memref<2x10240x80xf32, #tpu.memory_space<vmem>>, vector<1x10240x80xf32>
    %get3A_3 = vector.shape_cast %get3A_2 : vector<1x10240x80xf32> to vector<10240x80xf32>
    %get3A_4 = arith.constant 1 : index
    %get3A_5 = arith.constant 0 : index
    %get3A_6 = arith.constant 0 : index
    %get3A_7 = vector.load %arg0[%get3A_4, %get3A_5, %get3A_6] : memref<2x10240x80xf32, #tpu.memory_space<vmem>>, vector<1x10240x80xf32>
    %get3A_8 = vector.shape_cast %get3A_7 : vector<1x10240x80xf32> to vector<10240x80xf32>
    %add3A = arith.addf %get3A_3, %get3A_8 : vector<10240x80xf32>
    %iota3A = tpu.iota {dimensions = array<i32: 0>} : vector<80x1xi32>
    %eq3A = arith.constant 66 : i32
    %eq3A_9 = vector.broadcast %eq3A : i32 to vector<80x1xi32>
    %eq3A_10 = arith.cmpi eq, %iota3A, %eq3A_9 : vector<80x1xi32>
    %convert_element_type3A = arith.extui %eq3A_10 : vector<80x1xi1> to vector<80x1xi32>
    %convert_element_type3A_11 = arith.sitofp %convert_element_type3A : vector<80x1xi32> to vector<80x1xf32>
    %dot_general3A = arith.constant dense<0.000000e+00> : vector<10240x1xf32>
    %dot_general3A_12 = tpu.matmul %add3A, %convert_element_type3A_11, %dot_general3A {dimension_numbers = #tpu.dot_dimension_numbers<[1], [0], [0], [1], [0, 0, 1, 1], [], []>, transpose_lhs_hint = false} : vector<10240x80xf32>, vector<80x1xf32>, vector<10240x1xf32> -> vector<10240x1xf32>
    %max3A = arith.constant 1.000000e+00 : f32
    %max3A_13 = vector.broadcast %max3A : f32 to vector<10240x1xf32>
    %max3A_14 = arith.maximumf %dot_general3A_12, %max3A_13 : vector<10240x1xf32>
    %div3A = arith.constant 1.000000e+00 : f32
    %div3A_15 = vector.broadcast %div3A : f32 to vector<10240x1xf32>
    %div3A_16 = arith.divf %div3A_15, %max3A_14 : vector<10240x1xf32>
    %mul3A = vector.broadcast %div3A_16 : vector<10240x1xf32> to vector<10240x80xf32>
    %mul3A_17 = arith.mulf %add3A, %mul3A : vector<10240x80xf32>
    %get3A_18 = arith.constant 0 : index
    %get3A_19 = arith.constant 0 : index
    %get3A_20 = vector.load %arg1[%get3A_18, %get3A_19] : memref<10240x80xf32, #tpu.memory_space<vmem>>, vector<10240x80xf32>
    %add3A_21 = arith.addf %mul3A_17, %get3A_20 : vector<10240x80xf32>
    %max3A_22 = arith.constant 0.000000e+00 : f32
    %max3A_23 = vector.broadcast %max3A_22 : f32 to vector<10240x80xf32>
    %max3A_24 = arith.maximumf %add3A_21, %max3A_23 : vector<10240x80xf32>
    %broadcast_in_dim3A = arith.constant 0.000000e+00 : f32
    %broadcast_in_dim3A_25 = vector.broadcast %broadcast_in_dim3A : f32 to vector<10240x48xf32>
    %concatenate3A = tpu.concatenate %max3A_24, %broadcast_in_dim3A_25 in 1 : vector<10240x80xf32>, vector<10240x48xf32> -> vector<10240x128xf32>
    %get3A_26 = arith.constant 0 : index
    %get3A_27 = arith.constant 0 : index
    %get3A_28 = vector.load %arg3[%get3A_26, %get3A_27] : memref<1x1xf32, #tpu.memory_space<vmem>>, vector<1x1xf32>
    %get3A_29 = vector.extract %get3A_28[0, 0] : f32 from vector<1x1xf32>
    %get3A_30 = arith.constant 0 : index
    %get3A_31 = arith.constant 0 : index
    %get3A_32 = vector.load %arg2[%get3A_30, %get3A_31] : memref<10240x128xf32, #tpu.memory_space<vmem>>, vector<10240x128xf32>
    %mul3A_33 = vector.broadcast %get3A_29 : f32 to vector<10240x128xf32>
    %mul3A_34 = arith.mulf %mul3A_33, %get3A_32 : vector<10240x128xf32>
    %sub3A = arith.constant 1.000000e+00 : f32
    %sub3A_35 = arith.subf %sub3A, %get3A_29 : f32
    %mul3A_36 = vector.broadcast %sub3A_35 : f32 to vector<10240x128xf32>
    %mul3A_37 = arith.mulf %mul3A_36, %concatenate3A : vector<10240x128xf32>
    %add3A_38 = arith.addf %mul3A_34, %mul3A_37 : vector<10240x128xf32>
    %iota3A_39 = tpu.iota {dimensions = array<i32: 1>} : vector<1x80xi32>
    %eq3A_40 = arith.constant 66 : i32
    %eq3A_41 = vector.broadcast %eq3A_40 : i32 to vector<1x80xi32>
    %eq3A_42 = arith.cmpi eq, %iota3A_39, %eq3A_41 : vector<1x80xi32>
    %convert_element_type3A_43 = arith.extui %eq3A_42 : vector<1x80xi1> to vector<1x80xi32>
    %convert_element_type3A_44 = arith.sitofp %convert_element_type3A_43 : vector<1x80xi32> to vector<1x80xf32>
    %get3A_45 = arith.constant 0 : index
    %get3A_46 = arith.constant 0 : index
    %get3A_47 = vector.load %arg4[%get3A_45, %get3A_46] : memref<128x80xf32, #tpu.memory_space<vmem>>, vector<128x80xf32>
    %dot_general3A_48 = arith.constant dense<0.000000e+00> : vector<10240x80xf32>
    %dot_general3A_49 = tpu.matmul %add3A_38, %get3A_47, %dot_general3A_48 {dimension_numbers = #tpu.dot_dimension_numbers<[1], [0], [0], [1], [0, 0, 1, 1], [], []>, transpose_lhs_hint = false} : vector<10240x128xf32>, vector<128x80xf32>, vector<10240x80xf32> -> vector<10240x80xf32>
    %add3A_50 = vector.broadcast %convert_element_type3A_44 : vector<1x80xf32> to vector<10240x80xf32>
    %add3A_51 = arith.addf %dot_general3A_49, %add3A_50 : vector<10240x80xf32>
    %swap3A = arith.constant 0 : index
    %swap3A_52 = arith.constant 0 : index
    %swap3A_53 = vector.load %arg7[%swap3A, %swap3A_52] : memref<10240x80xf32, #tpu.memory_space<vmem>>, vector<10240x80xf32>
    tpu.vector_store %arg7[%swap3A, %swap3A_52], %add3A_51 {strides = array<i32>} : memref<10240x80xf32, #tpu.memory_space<vmem>>, vector<10240x80xf32>,
    %get3A_54 = arith.constant 0 : index
    %get3A_55 = arith.constant 0 : index
    %get3A_56 = vector.load %arg5[%get3A_54, %get3A_55] : memref<128x80xf32, #tpu.memory_space<vmem>>, vector<128x80xf32>
    %dot_general3A_57 = arith.constant dense<0.000000e+00> : vector<10240x80xf32>
    %dot_general3A_58 = tpu.matmul %add3A_38, %get3A_56, %dot_general3A_57 {dimension_numbers = #tpu.dot_dimension_numbers<[1], [0], [0], [1], [0, 0, 1, 1], [], []>, transpose_lhs_hint = false} : vector<10240x128xf32>, vector<128x80xf32>, vector<10240x80xf32> -> vector<10240x80xf32>
    %get3A_59 = arith.constant 0 : index
    %get3A_60 = arith.constant 0 : index
    %get3A_61 = vector.load %arg6[%get3A_59, %get3A_60] : memref<1x80xf32, #tpu.memory_space<vmem>>, vector<1x80xf32>
    %add3A_62 = vector.broadcast %get3A_61 : vector<1x80xf32> to vector<10240x80xf32>
    %add3A_63 = arith.addf %dot_general3A_58, %add3A_62 : vector<10240x80xf32>
    %swap3A_64 = arith.constant 0 : index
    %swap3A_65 = arith.constant 0 : index
    %swap3A_66 = vector.load %arg8[%swap3A_64, %swap3A_65] : memref<10240x80xf32, #tpu.memory_space<vmem>>, vector<10240x80xf32>
    tpu.vector_store %arg8[%swap3A_64, %swap3A_65], %add3A_63 {strides = array<i32>} : memref<10240x80xf32, #tpu.memory_space<vmem>>, vector<10240x80xf32>,
    return
  }
}

module attributes {stable_mosaic.version = 14 : i64} {
  func.func @_pool_head(%arg0: memref<2x10240x80xf32, #tpu.memory_space<vmem>>, %arg1: memref<10240x80xf32, #tpu.memory_space<vmem>>, %arg2: memref<10240x1xi32, #tpu.memory_space<vmem>>, %arg3: memref<64x80xf32, #tpu.memory_space<vmem>>, %arg4: memref<80x30xf32, #tpu.memory_space<vmem>>, %arg5: memref<1x30xf32, #tpu.memory_space<vmem>>, %arg6: memref<64x30xf32, #tpu.memory_space<vmem>>, %arg7: memref<30x1xf32, #tpu.memory_space<vmem>>, %arg8: memref<1x1xf32, #tpu.memory_space<vmem>>, %arg9: memref<64x1xf32, #tpu.memory_space<vmem>>) attributes {dimension_semantics = [], scalar_prefetch = 0 : i64, scratch_operands = 0 : i64, tpu.core_type = #tpu.core_type<tc>} {
    %get3A = arith.constant 0 : index
    %get3A_0 = arith.constant 0 : index
    %get3A_1 = arith.constant 0 : index
    %get3A_2 = vector.load %arg0[%get3A, %get3A_0, %get3A_1] : memref<2x10240x80xf32, #tpu.memory_space<vmem>>, vector<1x10240x80xf32>
    %get3A_3 = vector.shape_cast %get3A_2 : vector<1x10240x80xf32> to vector<10240x80xf32>
    %get3A_4 = arith.constant 1 : index
    %get3A_5 = arith.constant 0 : index
    %get3A_6 = arith.constant 0 : index
    %get3A_7 = vector.load %arg0[%get3A_4, %get3A_5, %get3A_6] : memref<2x10240x80xf32, #tpu.memory_space<vmem>>, vector<1x10240x80xf32>
    %get3A_8 = vector.shape_cast %get3A_7 : vector<1x10240x80xf32> to vector<10240x80xf32>
    %add3A = arith.addf %get3A_3, %get3A_8 : vector<10240x80xf32>
    %iota3A = tpu.iota {dimensions = array<i32: 0>} : vector<80x1xi32>
    %eq3A = arith.constant 66 : i32
    %eq3A_9 = vector.broadcast %eq3A : i32 to vector<80x1xi32>
    %eq3A_10 = arith.cmpi eq, %iota3A, %eq3A_9 : vector<80x1xi32>
    %convert_element_type3A = arith.extui %eq3A_10 : vector<80x1xi1> to vector<80x1xi32>
    %convert_element_type3A_11 = arith.sitofp %convert_element_type3A : vector<80x1xi32> to vector<80x1xf32>
    %dot_general3A = arith.constant dense<0.000000e+00> : vector<10240x1xf32>
    %dot_general3A_12 = tpu.matmul %add3A, %convert_element_type3A_11, %dot_general3A {dimension_numbers = #tpu.dot_dimension_numbers<[1], [0], [0], [1], [0, 0, 1, 1], [], []>, transpose_lhs_hint = false} : vector<10240x80xf32>, vector<80x1xf32>, vector<10240x1xf32> -> vector<10240x1xf32>
    %max3A = arith.constant 1.000000e+00 : f32
    %max3A_13 = vector.broadcast %max3A : f32 to vector<10240x1xf32>
    %max3A_14 = arith.maximumf %dot_general3A_12, %max3A_13 : vector<10240x1xf32>
    %div3A = arith.constant 1.000000e+00 : f32
    %div3A_15 = vector.broadcast %div3A : f32 to vector<10240x1xf32>
    %div3A_16 = arith.divf %div3A_15, %max3A_14 : vector<10240x1xf32>
    %mul3A = vector.broadcast %div3A_16 : vector<10240x1xf32> to vector<10240x80xf32>
    %mul3A_17 = arith.mulf %add3A, %mul3A : vector<10240x80xf32>
    %get3A_18 = arith.constant 0 : index
    %get3A_19 = arith.constant 0 : index
    %get3A_20 = vector.load %arg1[%get3A_18, %get3A_19] : memref<10240x80xf32, #tpu.memory_space<vmem>>, vector<10240x80xf32>
    %add3A_21 = arith.addf %mul3A_17, %get3A_20 : vector<10240x80xf32>
    %max3A_22 = arith.constant 0.000000e+00 : f32
    %max3A_23 = vector.broadcast %max3A_22 : f32 to vector<10240x80xf32>
    %max3A_24 = arith.maximumf %add3A_21, %max3A_23 : vector<10240x80xf32>
    %get3A_25 = arith.constant 0 : index
    %get3A_26 = arith.constant 0 : index
    %get3A_27 = vector.load %arg2[%get3A_25, %get3A_26] : memref<10240x1xi32, #tpu.memory_space<vmem>>, vector<10240x1xi32>
    %iota3A_28 = tpu.iota {dimensions = array<i32: 1>} : vector<10240x64xi32>
    %eq3A_29 = vector.broadcast %get3A_27 : vector<10240x1xi32> to vector<10240x64xi32>
    %eq3A_30 = arith.cmpi eq, %eq3A_29, %iota3A_28 : vector<10240x64xi32>
    %convert_element_type3A_31 = arith.extui %eq3A_30 : vector<10240x64xi1> to vector<10240x64xi32>
    %convert_element_type3A_32 = arith.sitofp %convert_element_type3A_31 : vector<10240x64xi32> to vector<10240x64xf32>
    %dot_general3A_33 = arith.constant dense<0.000000e+00> : vector<64x80xf32>
    %dot_general3A_34 = tpu.matmul %convert_element_type3A_32, %max3A_24, %dot_general3A_33 {dimension_numbers = #tpu.dot_dimension_numbers<[0], [0], [1], [1], [0, 1, 1, 1], [], []>, transpose_lhs_hint = false} : vector<10240x64xf32>, vector<10240x80xf32>, vector<64x80xf32> -> vector<64x80xf32>
    %broadcast_in_dim3A = arith.constant 1.000000e+00 : f32
    %broadcast_in_dim3A_35 = vector.broadcast %broadcast_in_dim3A : f32 to vector<10240x1xf32>
    %dot_general3A_36 = arith.constant dense<0.000000e+00> : vector<64x1xf32>
    %dot_general3A_37 = tpu.matmul %convert_element_type3A_32, %broadcast_in_dim3A_35, %dot_general3A_36 {dimension_numbers = #tpu.dot_dimension_numbers<[0], [0], [1], [1], [0, 1, 1, 1], [], []>, transpose_lhs_hint = false} : vector<10240x64xf32>, vector<10240x1xf32>, vector<64x1xf32> -> vector<64x1xf32>
    %max3A_38 = arith.constant 1.000000e+00 : f32
    %max3A_39 = vector.broadcast %max3A_38 : f32 to vector<64x1xf32>
    %max3A_40 = arith.maximumf %dot_general3A_37, %max3A_39 : vector<64x1xf32>
    %div3A_41 = arith.constant 1.000000e+00 : f32
    %div3A_42 = vector.broadcast %div3A_41 : f32 to vector<64x1xf32>
    %div3A_43 = arith.divf %div3A_42, %max3A_40 : vector<64x1xf32>
    %mul3A_44 = vector.broadcast %div3A_43 : vector<64x1xf32> to vector<64x80xf32>
    %mul3A_45 = arith.mulf %dot_general3A_34, %mul3A_44 : vector<64x80xf32>
    %get3A_46 = arith.constant 0 : index
    %get3A_47 = arith.constant 0 : index
    %get3A_48 = vector.load %arg3[%get3A_46, %get3A_47] : memref<64x80xf32, #tpu.memory_space<vmem>>, vector<64x80xf32>
    %mul3A_49 = arith.mulf %mul3A_45, %get3A_48 : vector<64x80xf32>
    %mul3A_50 = arith.constant 2.000000e+00 : f32
    %mul3A_51 = vector.broadcast %mul3A_50 : f32 to vector<64x80xf32>
    %mul3A_52 = arith.mulf %mul3A_49, %mul3A_51 : vector<64x80xf32>
    %get3A_53 = arith.constant 0 : index
    %get3A_54 = arith.constant 0 : index
    %get3A_55 = vector.load %arg4[%get3A_53, %get3A_54] : memref<80x30xf32, #tpu.memory_space<vmem>>, vector<80x30xf32>
    %dot_general3A_56 = arith.constant dense<0.000000e+00> : vector<64x30xf32>
    %dot_general3A_57 = tpu.matmul %mul3A_52, %get3A_55, %dot_general3A_56 {dimension_numbers = #tpu.dot_dimension_numbers<[1], [0], [0], [1], [0, 0, 1, 1], [], []>, transpose_lhs_hint = false} : vector<64x80xf32>, vector<80x30xf32>, vector<64x30xf32> -> vector<64x30xf32>
    %get3A_58 = arith.constant 0 : index
    %get3A_59 = arith.constant 0 : index
    %get3A_60 = vector.load %arg5[%get3A_58, %get3A_59] : memref<1x30xf32, #tpu.memory_space<vmem>>, vector<1x30xf32>
    %add3A_61 = vector.broadcast %get3A_60 : vector<1x30xf32> to vector<64x30xf32>
    %add3A_62 = arith.addf %dot_general3A_57, %add3A_61 : vector<64x30xf32>
    %gt3A = arith.constant 0.000000e+00 : f32
    %gt3A_63 = vector.broadcast %gt3A : f32 to vector<64x30xf32>
    %gt3A_64 = arith.cmpf ogt, %add3A_62, %gt3A_63 : vector<64x30xf32>
    %mul3A_65 = arith.constant 0.00999999977 : f32
    %mul3A_66 = vector.broadcast %mul3A_65 : f32 to vector<64x30xf32>
    %mul3A_67 = arith.mulf %mul3A_66, %add3A_62 : vector<64x30xf32>
    %select_n3A = arith.select %gt3A_64, %add3A_62, %mul3A_67 : vector<64x30xi1>, vector<64x30xf32>
    %get3A_68 = arith.constant 0 : index
    %get3A_69 = arith.constant 0 : index
    %get3A_70 = vector.load %arg6[%get3A_68, %get3A_69] : memref<64x30xf32, #tpu.memory_space<vmem>>, vector<64x30xf32>
    %mul3A_71 = arith.mulf %select_n3A, %get3A_70 : vector<64x30xf32>
    %mul3A_72 = arith.constant 2.000000e+00 : f32
    %mul3A_73 = vector.broadcast %mul3A_72 : f32 to vector<64x30xf32>
    %mul3A_74 = arith.mulf %mul3A_71, %mul3A_73 : vector<64x30xf32>
    %get3A_75 = arith.constant 0 : index
    %get3A_76 = arith.constant 0 : index
    %get3A_77 = vector.load %arg7[%get3A_75, %get3A_76] : memref<30x1xf32, #tpu.memory_space<vmem>>, vector<30x1xf32>
    %dot_general3A_78 = arith.constant dense<0.000000e+00> : vector<64x1xf32>
    %dot_general3A_79 = tpu.matmul %mul3A_74, %get3A_77, %dot_general3A_78 {dimension_numbers = #tpu.dot_dimension_numbers<[1], [0], [0], [1], [0, 0, 1, 1], [], []>, transpose_lhs_hint = false} : vector<64x30xf32>, vector<30x1xf32>, vector<64x1xf32> -> vector<64x1xf32>
    %get3A_80 = arith.constant 0 : index
    %get3A_81 = arith.constant 0 : index
    %get3A_82 = vector.load %arg8[%get3A_80, %get3A_81] : memref<1x1xf32, #tpu.memory_space<vmem>>, vector<1x1xf32>
    %add3A_83 = vector.broadcast %get3A_82 : vector<1x1xf32> to vector<64x1xf32>
    %add3A_84 = arith.addf %dot_general3A_79, %add3A_83 : vector<64x1xf32>
    %gt3A_85 = arith.constant 0.000000e+00 : f32
    %gt3A_86 = vector.broadcast %gt3A_85 : f32 to vector<64x1xf32>
    %gt3A_87 = arith.cmpf ogt, %add3A_84, %gt3A_86 : vector<64x1xf32>
    %mul3A_88 = arith.constant 0.00999999977 : f32
    %mul3A_89 = vector.broadcast %mul3A_88 : f32 to vector<64x1xf32>
    %mul3A_90 = arith.mulf %mul3A_89, %add3A_84 : vector<64x1xf32>
    %select_n3A_91 = arith.select %gt3A_87, %add3A_84, %mul3A_90 : vector<64x1xi1>, vector<64x1xf32>
    %swap3A = arith.constant 0 : index
    %swap3A_92 = arith.constant 0 : index
    %swap3A_93 = vector.load %arg9[%swap3A, %swap3A_92] : memref<64x1xf32, #tpu.memory_space<vmem>>, vector<64x1xf32>
    tpu.vector_store %arg9[%swap3A, %swap3A_92], %select_n3A_91 {strides = array<i32>} : memref<64x1xf32, #tpu.memory_space<vmem>>, vector<64x1xf32>,
    return
  }
}

</mosaic_0001>

<sc_bundles>
// kernel: closed_call.22.cloned.1.call-start
scs
__scs_entry_jumppad:
0x0: {  	(pc) =	sbr.rel $0x88, $3  }
0x1: {  	(tag) =	ssettag $0x0;
	lr =	simm.s32 $0x1  }
0x2: {  	[smem:$0x3F8F] =	sst lr;
	_ =	strace $0xD0000000  }
0x3: {  	_ = 	snop  }
0x4: {  	_ = 	snop  }
0x5: {  	_ = 	snop  }
0x6: {  	_ = 	snop  }
0x7: {  	_ = 	snop  }
__scs_overlays_trampoline_lowered:
0x8: {  	[smem:$0x3F9E] =	sst s0  }
0x9: {  	[smem:$0x3F9F] =	sst s1  }
0xa: {  	[smem:$0x3FA0] =	sst s2  }
0xb: {  	[smem:$0x3FA1] =	sst s3  }
0xc: {  	[smem:$0x3FA2] =	sst s4  }
0xd: {  	[smem:$0x3FA3] =	sst s5  }
0xe: {  	[smem:$0x3FA4] =	sst s6  }
0xf: {  	[smem:$0x3FA5] =	sst s7  }
0x10: {  	[smem:$0x3FA6] =	sst s8  }
0x11: {  	[smem:$0x3FA7] =	sst s9;
	s0 =	simm.s32 @!p0 $0x0  }
0x12: {  	s1 =	sld [smem:$0x3F8D];
	s0 =	simm.s32 @p0 $0x1  }
0x13: {  	[smem:$0x3FA8] =	sst s0;
	s0 =	simm.s32 @!p1 $0x0  }
0x14: {  	s2 =	sld [smem:$0x3F8C];
	s0 =	simm.s32 @p1 $0x1  }
0x15: {  	[smem:$0x3FA9] =	sst s0;
	s0 =	simm.s32 @!p2 $0x0  }
0x16: {  	s3 =	sld [smem:$0x3FDB];
	s0 =	simm.s32 @p2 $0x1  }
0x17: {  	s4 =	simm.s32 $0x1BF5;
	[smem:$0x3FAB] =	sst s0  }
0x18: {  	s0 =	sld [smem:$0x3F8E];
	_ =	swait.ge [sflag:s4], $0x0  }
0x19: {  	s7 =	sld [smem:$0x3F8F]  }
0x1a: {  	s8 =	sadd.s32 $0xFFFFE003, lr  }
0x1b: {  	s9 =	sadd.s32 $0xFFFFFEF7, lr;
	s5 =	simm.s32 $0xFFFFFFFF;
	p2 =	slt.u32 s8, $0xFFFFF086  }
0x1c: {  	p1 =	slt.u32 s9, $0xF7A;
	s5 =	simm.s32 @!p2 $0x0  }
0x1d: {  	s5 =	simm.s32 @p1 $0x1;
	p0 =	seq.s32 s7, s2  }
0x1e: {  	s7 =	smul.u32 @!p0 $0xF7A, s2;
	p2 =	seq.s32 @!p0 s5, $0x0  }
0x1f: {  	s9 =	smul.u32 $0xF7A, s1;
	s8 =	simm.s32 @!p0 $0x1BF5;
	p2 =	por !p2, p0  }
0x20: {  	[sflag:s8] =	ssyncset.s32 @!p0 $0xFFFFF086;
	s6 =	sadd.s32 @!p0 s3, s7;
	s7 =	simm.s32 @!p0 $0x108  }
0x21: {  	s3 =	sadd.s32 s3, s9;
	s6 =	sadd.s32 @!p0 $0x88, s6;
	s7 =	simm.s32 @p2 $0x1082  }
0x22: {  	[simem:s7], [sflag:s8] =	dma.local @!p0 [hbm:s6], $0xF7A  }
0x23: {  	s9 =	sor.u32 $0xD0000000, s2;
	s6 =	simm.s32 $0x108;
	_ =	swait.ge @!p0 [sflag:s8], $0x0  }
0x24: {  	s3 =	sadd.s32 $0x88, s3;
	s6 =	simm.s32 @!p1 $0x1082;
	[sflag:s4] =	ssyncset.s32 $0xFFFFF086  }
0x25: {  	[simem:s6], [sflag:s4] =	dma.local [hbm:s3], $0xF7A  }
0x26: {  	[smem:$0x3F8F] =	sst s1;
	(tag) =	ssettag s2;
	_ =	strace s9  }
0x27: {  	s1 =	sld [smem:$0x3F9F]  }
0x28: {  	s2 =	sld [smem:$0x3FA0]  }
0x29: {  	s4 =	sld [smem:$0x3FA2]  }
0x2a: {  	p0 =	seq.s32 s5, $0x0;
	s5 =	sld [smem:$0x3FA3]  }
0x2b: {  	s6 =	sld [smem:$0x3FA4]  }
0x2c: {  	s7 =	sld [smem:$0x3FA5]  }
0x2d: {  	s3 =	simm.s32 $0x108;
	s8 =	sld [smem:$0x3FA6]  }
0x2e: {  	s3 =	simm.s32 @!p0 $0x1082;
	s9 =	sld [smem:$0x3FA7]  }
0x2f: {  	lr =	sadd.s32 s0, s3;
	s0 =	sld [smem:$0x3F9E]  }
0x30: {  	s3 =	sld [smem:$0x3FA1]  }
0x31: {  	[smem:$0x3FAA] =	sst s10  }
0x32: {  	s10 =	sld [smem:$0x3FA8];
	_ =	sdelay $0x3  }
0x33: {  	p0 =	seq.s32 s10, $0x1;
	s10 =	sld [smem:$0x3FAA];
	_ =	sdelay $0x3  }
0x34: {  	[smem:$0x3FAA] =	sst s10  }
0x35: {  	s10 =	sld [smem:$0x3FA9];
	_ =	sdelay $0x3  }
0x36: {  	p1 =	seq.s32 s10, $0x1;
	s10 =	sld [smem:$0x3FAA];
	_ =	sdelay $0x3  }
0x37: {  	[smem:$0x3FAA] =	sst s10  }
0x38: {  	s10 =	sld [smem:$0x3FAB]  }
0x39: {  	_ = 	snop;
	(pc) =	sbr.ind lr, $3  }
0x3a: {  	_ = 	snop  }
0x3b: {  	_ = 	snop  }
0x3c: {  	p2 =	seq.s32 s10, $0x1;
	s10 =	sld [smem:$0x3FAA]  }
0x3d: {  	_ =	shalt  }
0x3e: {  	_ =	shalt  }
0x3f: {  	_ =	shalt  }
0x40: {  	_ =	shalt  }
0x41: {  	_ =	shalt  }
0x42: {  	_ =	shalt  }
0x43: {  	_ =	shalt  }
0x44: {  	_ =	shalt  }
0x45: {  	_ =	shalt  }
0x46: {  	_ =	shalt  }
0x47: {  	_ =	shalt  }
0x48: {  	_ =	shalt  }
0x49: {  	_ =	shalt  }
0x4a: {  	_ =	shalt  }
0x4b: {  	_ =	shalt  }
0x4c: {  	_ =	shalt  }
0x4d: {  	_ =	shalt  }
0x4e: {  	_ =	shalt  }
0x4f: {  	_ =	shalt  }
0x50: {  	_ =	shalt  }
0x51: {  	_ =	shalt  }
0x52: {  	_ =	shalt  }
0x53: {  	_ =	shalt  }
0x54: {  	_ =	shalt  }
0x55: {  	_ =	shalt  }
0x56: {  	_ =	shalt  }
0x57: {  	_ =	shalt  }
0x58: {  	_ =	shalt  }
0x59: {  	_ =	shalt  }
0x5a: {  	_ =	shalt  }
0x5b: {  	_ =	shalt  }
0x5c: {  	_ =	shalt  }
0x5d: {  	_ =	shalt  }
0x5e: {  	_ =	shalt  }
0x5f: {  	_ =	shalt  }
0x60: {  	_ =	shalt  }
0x61: {  	_ =	shalt  }
0x62: {  	_ =	shalt  }
0x63: {  	_ =	shalt  }
0x64: {  	_ =	shalt  }
0x65: {  	_ =	shalt  }
0x66: {  	_ =	shalt  }
0x67: {  	_ =	shalt  }
0x68: {  	_ =	shalt  }
0x69: {  	_ =	shalt  }
0x6a: {  	_ =	shalt  }
0x6b: {  	_ =	shalt  }
0x6c: {  	_ =	shalt  }
0x6d: {  	_ =	shalt  }
0x6e: {  	_ =	shalt  }
0x6f: {  	_ =	shalt  }
0x70: {  	_ =	shalt  }
0x71: {  	_ =	shalt  }
0x72: {  	_ =	shalt  }
0x73: {  	_ =	shalt  }
0x74: {  	_ =	shalt  }
0x75: {  	_ =	shalt  }
0x76: {  	_ =	shalt  }
0x77: {  	_ =	shalt  }
0x78: {  	_ =	shalt  }
0x79: {  	_ =	shalt  }
0x7a: {  	_ =	shalt  }
0x7b: {  	_ =	shalt  }
0x7c: {  	_ =	shalt  }
0x7d: {  	_ =	shalt  }
0x7e: {  	_ =	shalt  }
0x7f: {  	_ =	shalt  }
0x80: {  	_ =	shalt  }
0x81: {  	_ =	shalt  }
0x82: {  	_ =	shalt  }
0x83: {  	_ =	shalt  }
0x84: {  	_ =	shalt  }
0x85: {  	_ =	shalt  }
0x86: {  	_ =	shalt  }
0x87: {  	_ =	shalt  }
.Lfunc_end0:
.L_simem_size_0:
called_computation_lowered:
.L_overlay_start_0:
0x88: {  	s2 =	sld [smem:$0x3FD9]  }
0x89: {  	s3 =	sld [smem:$0x3FFE];
	_ =	sdelay $0x1  }
0x8a: {  	s1 =	srdreg.scid  }
0x8b: {  	s0 =	sand.u32 $0x1, s1  }
0x8c: {  	s16 =	sshll.u32 s0, $0xA;
	s2 =	sadd.s32 s3, s2  }
0x8d: {  	s2 =	sadd.s32 s2, s16  }
0x8e: {  	[smem:$0x3FB6] =	sst s2  }
0x8f: {  	_ = 	snop  }
0x90: {  	(tm) =	ssettm $0x1  }
0x91: {  	s17 =	sld [smem:$0x3FFB];
	_ =	sdelay $0x3  }
0x92: {  	_ =	strace s17  }
0x93: {  	s2 =	sld [smem:$0x3FFC];
	_ =	sdelay $0x3  }
0x94: {  	_ =	strace s2  }
0x95: {  	s2 =	sld [smem:$0x3FFD];
	_ =	sdelay $0x3  }
0x96: {  	_ =	strace s2  }
0x97: {  	_ =	strace $0x8FFFFFFF  }
0x98: {  	s18 =	sld [smem:$0x3FDB];
	_ =	sdelay $0x1  }
0x99: {  	s19 =	simm.s32 $_scs_section_size  }
0x9a: {  	s4 =	simm.s32 $_size__tile_overlayer_lowered;
	s5 =	simm.s32 $_tile_overlayer_lowered  }
0x9b: {  	s22 =	simm.s32 $0x1BFF;
	s21 =	sshll.u32 s5, $0x1;
	s2 =	sadd.s32 s19, s18  }
0x9c: {  	s6 =	simm.s32 $0x0;
	s20 =	sshll.u32 s4, $0x1;
	s4 =	sadd.s32 s21, s2  }
0x9d: {  	[timem:s6], [sflag:s22] =	dma.local [hbm:s4], s20  }
0x9e: {  	_ =	swait.ge [sflag:s22], s20  }
0x9f: {  	s3 =	ssub.s32 $0x0, s20;
	[sflag:s22] =	ssyncset.done $0x0  }
0xa0: {  	[sflag:s22] =	ssyncadd.s32 s3;
	_ =	sdelay $0x1  }
0xa1: {  	s23 =	simm.s32 $0x1B8B  }
0xa2: {  	_ =	swait.ge [sflag:s23], $0x1  }
0xa3: {  	[sflag:s23] =	ssyncset.done $0x0  }
0xa4: {  	s25 =	simm.s32 $0x1B8E;
	s24 =	sld [smem:$0x3FFE];
	[sflag:s23] =	ssyncadd.s32 $0xFFFFFFFF  }
0xa5: {  	s26 =	simm.s32 $execute0_lowered;
	[smem:$0x3FD2] =	sst s25  }
0xa6: {  	s4 =	sshll.u32 s26, $0x1;
	_ =	strace $0x80000046;
	[dreg:$0x1] =	wrdreg $0xFFFFFFFF  }
0xa7: {  	s28 =	simm.s32 $_size_execute0_lowered;
	s2 =	sadd.s32 s2, s4;
	[dreg:$0x0] =	wrdreg $0x0  }
0xa8: {  	s4 =	sshll.u32 s28, $0x1;
	[dreg:$0x2] =	wrdreg s2  }
0xa9: {  	[dreg:$0x3] =	wrdreg s4  }
0xaa: {  	[dreg:$0x4] =	wrdreg $0xC0  }
0xab: {  	_ =	task [dreg:s6], $0x5FFFF  }
0xac: {  	[dreg:$0x1] =	wrdreg $0xFFFFFFFF  }
0xad: {  	[dreg:$0x0] =	wrdreg $0x60  }
0xae: {  	[dreg:$0x2] =	wrdreg s24  }
0xaf: {  	[dreg:$0x3] =	wrdreg $0xF8000  }
0xb0: {  	[dreg:$0x4] =	wrdreg $0x9  }
0xb1: {  	_ =	task.clear_ibuf [dreg:s6], $0x5FFFF;
	_ =	strace $0x90000046  }
0xb2: {  	s29 =	simm.s32 $0x9;
	_ =	strace $0x80000048  }
0xb3: {  	_ =	swait.ge [sflag:s29], $0x1  }
0xb4: {  	[sflag:s29] =	ssyncadd.s32 $0xFFFFFFFF  }
0xb5: {  	_ =	strace $0x90000048  }
0xb6: {  	_ =	sfence  }
0xb7: {  	s30 =	sld [smem:$0x0];
	_ =	sdelay $0x2  }
0xb8: {  	s31 =	sshll.u32 s1, $0xD;
	s1 =	sshrl.u32 s1, $0x2  }
0xb9: {  	s3 =	sand.u32 $0x4000, s31;
	s1 =	sadd.s32 s1, s30  }
0xba: {  	s0 =	sor.u32 s3, s0;
	s1 =	sshll.u32 s1, $0x11  }
0xbb: {  	s0 =	sor.u32 s1, s0  }
0xbc: {  	s0 =	sadd.s32 $0x8F2B, s0  }
0xbd: {  	[sflag:s0] =	ssyncadd.remote.s32 $0x1  }
0xbe: {  	_ =	sfence.sel $0xFFFF  }
0xbf: {  	[dreg:$0x0] =	wrdreg $0xFFFFFFFF;
	(pc) =	sbr.abs _section_cstart, $3  }
0xc0: {  	[dreg:$0x1] =	wrdreg $0xFFFFFFFF  }
0xc1: {  	_ =	task.clear_ibuf [dreg:s6], $0x2FFFF;
	_ =	strace $0x9FFFFFFF  }
0xc2: {  	(tm) =	ssettm $0x7FFFFFFF  }
0xc3: {  	_ =	shalt  }
tec
execute0_lowered:
.L_overlay_start_1:
0x0: {  	(tag) =	ssettag $0x1  }
0x1: {  	s1 =	rddreg [dreg:$0x0]  }
0x2: {  	s3 =	srdreg.scid;
	s0 =	stileid.u32  }
0x3: {  	s2 =	rddreg [dreg:$0x1];
	s4 =	simm.s32 $0x0;
	s18 =	simm.s32 $0x5800  }
0x4: {  	s19 =	simm.s32 $0x6;
	s20 =	simm.s32 $0x80;
	s21 =	simm.s32 $0x8000  }
0x5: {  	s23 =	simm.s32 $0xA800;
	s31 =	simm.s32 $0xD000;
	s10 =	smul.u32 $0xC800, s0  }
0x6: {  	s24 =	simm.s32 $0x2;
	s28 =	simm.s32 $0x5;
	s6 =	smul.u32 $0x5000, s0  }
0x7: {  	s29 =	simm.s32 $0x0;
	s3 =	sand.u32 $0x1, s3;
	s11 =	smul.u32 $0xA00, s0  }
0x8: {  	[smem:$0x7FF] =	sst s4;
	s4 =	sadd.s32 $0x3F200, s1;
	s14 =	smul.u32 $0x32000, s0  }
0x9: {  	s8 =	sadd.s32 $0x35200, s1;
	s9 =	sadd.s32 $0x2B200, s1;
	s5 =	smul.u32 $0xC8000, s3  }
0xa: {  	_ =	strace $0x80000047;
	s25 =	ssub.s32 $0x2, s3;
	s12 =	sshll.u32 s3, $0x4  }
0xb: {  	p0 =	sne.s32 s3, $0x0;
	[dreg:$0x3] =	wrdreg s31;
	s7 =	sshrl.u32 s25, $0x1  }
0xc: {  	s6 =	sshrl.u32 s6, $0x3;
	s30 =	sshrl.u32 s14, $0x2;
	s5 =	sadd.s32 s10, s5  }
0xd: {  	s13 =	sadd.s32 $0x580, s6;
	s17 =	ssub.s32 s25, s7;
	s10 =	sadd.s32 s10, s2  }
0xe: {  	s14 =	sadd.s32 s30, s2;
	s25 =	simm.s32 $0x3;
	s5 =	sshrl.u32 s5, $0x3  }
0xf: {  	s26 =	sadd.s32 s8, s13;
	s7 =	sadd.s32 s9, s13;
	s8 =	sadd.s32 s8, s11  }
0x10: {  	s9 =	sadd.s32 s9, s11;
	s11 =	sadd.s32 $0x2800, s14;
	s13 =	sadd.s32 $0x7800, s14  }
0x11: {  	s17 =	smax.u32 s17, $0x1;
	s1 =	sadd.s32 s5, s1;
	s5 =	sxor.u32 $0x58, s12  }
0x12: {  	[dreg:$0x4] =	wrdreg s26;
	s12 =	sadd.s32 $0x5000, s14;
	s14 =	sadd.s32 $0xA000, s14  }
0x13: {  	v0 =	vimm.f32 $0.0e+00;
	s26 =	simm.s32 $0x4;
	s15 =	sshrl.u32 s5, $0x2;
	s16 =	sadd.s32 $0x58200, s1  }
.LBB2_1:
0x14: {  	s1 =	simm.s32 @p0 $0x0;
	s0 =	rddreg [dreg:$0x4]  }
0x15: {  	[tilespmem:s1], [sflag:$0x1] =	stream.linear.gather @p0 [hbm4b:s0+s1], $0x2400, $0x38;
	[tilespmem:$0x1C000] =	vst v63  }
0x16: {  	s3 =	simm.s32 @p0 $0x2C00  }
0x17: {  	[tilespmem:s3], [sflag:$0x1] =	stream.linear.gather @p0 [hbm4b:s7+s1], $0x2400, $0x38;
	[tilespmem:$0x1C000] =	vst v63  }
0x18: {  	s31 =	simm.s32 $0x0;
	s1 =	simm.s32 @!p0 $0x0  }
0x19: {  	[tilespmem:s1], [sflag:$0x1] =	stream.linear.gather @!p0 [hbm4b:s8+s1], $0x2C00, $0x38;
	[tilespmem:$0x1C000] =	vst v63  }
0x1a: {  	s22 =	smul.u32 $0xCCCD, s31;
	s3 =	simm.s32 @!p0 $0x2C00  }
0x1b: {  	[tilespmem:s3], [sflag:$0x1] =	stream.linear.gather @!p0 [hbm4b:s9+s1], $0x2C00, $0x38;
	[tilespmem:$0x1C000] =	vst v63  }
0x1c: {  	s3 =	sshrl.u32 s22, $0x12  }
0x1d: {  	s1 =	simm.s32 $0x1;
	s22 =	simm.s32 $0x0;
	s30 =	smul.u32 $0x5, s3  }
.LBB2_2:
0x1e: {  	s31 =	smul.u32 $0xCCCD, s1  }
0x1f: {  	s0 =	smov.u32 s1;
	s3 =	smul.u32 $0x140, s3;
	p1 =	sne.s32 s1, $0x27F  }
.Ltmp0:
0x20: {  	s22 =	ssub.s32 s22, s30;
	(pc) =	sbr.rel @p1 .LBB2_2-.Ltmp0, $4  }
0x21: {  	s1 =	sadd.s32 $0x1, s1;
	s22 =	sand.u32 $0xFFFF, s22  }
0x22: {  	s30 =	sshrl.u32 s3, $0x2;
	s6 =	sshll.u32 s22, $0x4;
	s22 =	smov.u32 s0  }
0x23: {  	s3 =	sshrl.u32 s31, $0x12;
	s0 =	sadd.s32 s6, s30  }
0x24: {  	s30 =	smul.u32 $0x5, s3;
	[tilespmem:s0+$0x5800] =	vst v0  }
0x25: {  	_ = 	snop  }
0x26: {  	s1 =	smul.u32 $0x140, s3;
	s0 =	ssub.s32 s22, s30  }
0x27: {  	s0 =	sand.u32 $0xFFFF, s0  }
0x28: {  	s1 =	sshrl.u32 s1, $0x2;
	s0 =	sshll.u32 s0, $0x4  }
0x29: {  	s0 =	sadd.s32 s0, s1  }
0x2a: {  	[tilespmem:s0+$0x5800] =	vst v0  }
0x2b: {  	[spmem:s10] =	stream.linear.scatter [tilespmem:s18], [sflag:$0x6], $0x2800, $0x38;
	[tilespmem:$0x1C000] =	vst v63  }
0x2c: {  	_ =	swait.ge [sflag:s19], $0x2800  }
0x2d: {  	[sflag:s19] =	ssyncset.done $0x0  }
0x2e: {  	[sflag:s19] =	ssyncadd.s32 $0xFFFFD800  }
0x2f: {  	[spmem:s11] =	stream.linear.scatter [tilespmem:s18], [sflag:$0x6], $0x2800, $0x38;
	[tilespmem:$0x1C000] =	vst v63  }
0x30: {  	_ =	swait.ge [sflag:s19], $0x2800  }
0x31: {  	[sflag:s19] =	ssyncset.done $0x0  }
0x32: {  	[sflag:s19] =	ssyncadd.s32 $0xFFFFD800  }
0x33: {  	[spmem:s12] =	stream.linear.scatter [tilespmem:s18], [sflag:$0x6], $0x2800, $0x38;
	[tilespmem:$0x1C000] =	vst v63  }
0x34: {  	_ =	swait.ge [sflag:s19], $0x2800  }
0x35: {  	[sflag:s19] =	ssyncset.done $0x0  }
0x36: {  	[sflag:s19] =	ssyncadd.s32 $0xFFFFD800  }
0x37: {  	[spmem:s13] =	stream.linear.scatter [tilespmem:s18], [sflag:$0x6], $0x2800, $0x38;
	[tilespmem:$0x1C000] =	vst v63  }
0x38: {  	_ =	swait.ge [sflag:s19], $0x2800  }
0x39: {  	[sflag:s19] =	ssyncset.done $0x0  }
0x3a: {  	[sflag:s19] =	ssyncadd.s32 $0xFFFFD800  }
0x3b: {  	[spmem:s14] =	stream.linear.scatter [tilespmem:s18], [sflag:$0x6], $0x2800, $0x38;
	[tilespmem:$0x1C000] =	vst v63  }
0x3c: {  	_ =	swait.ge [sflag:s19], $0x2800  }
0x3d: {  	[sflag:s19] =	ssyncset.done $0x0  }
0x3e: {  	[sflag:s19] =	ssyncadd.s32 $0xFFFFD800  }
0x3f: {  	s0 =	simm.s32 @p0 $0x1;
	[bflag:$0x0] =	sbarrier.arrive $0xFFFF  }
0x40: {  	_ =	swait.ge @p0 [sflag:s0], $0x2400  }
0x41: {  	[sflag:s0] =	ssyncset.done @p0 $0x0  }
0x42: {  	[sflag:s0] =	ssyncadd.s32 @p0 $0xFFFFDC00  }
0x43: {  	_ =	swait.ge @p0 [sflag:s0], $0x2400  }
0x44: {  	[sflag:s0] =	ssyncset.done @p0 $0x0  }
0x45: {  	[sflag:s0] =	ssyncadd.s32 @p0 $0xFFFFDC00;
	s0 =	simm.s32 @!p0 $0x1  }
0x46: {  	_ =	swait.ge @!p0 [sflag:s0], $0x2C00  }
0x47: {  	[sflag:s0] =	ssyncset.done @!p0 $0x0  }
0x48: {  	[sflag:s0] =	ssyncadd.s32 @!p0 $0xFFFFD400  }
0x49: {  	_ =	swait.ge @!p0 [sflag:s0], $0x2C00  }
0x4a: {  	s1 =	sadd.s32 $0xFFFFFFFF, s15;
	[sflag:s0] =	ssyncset.done @!p0 $0x0  }
0x4b: {  	s30 =	simm.s32 $0x0;
	p2 =	sne.s32 s1, $0x0;
	[sflag:s0] =	ssyncadd.s32 @!p0 $0xFFFFD400  }
0x4c: {  	[tilespmem:s18], [sflag:$0x2] =	stream.indirect.gather [hbm4b:s4+s20], $0x50, s30, s20, $0xb8;
	[tilespmem:$0x1C000] =	vst v63  }
.Ltmp1:
0x4d: {  	_ = 	snop;
	(pc) =	sbr.rel @!p2 .LBB2_6-.Ltmp1, $4  }
0x4e: {  	[tilespmem:s21], [sflag:$0x3] =	stream.indirect.gather [hbm4b:s4+s20], $0x50, s20, s20, $0xb8;
	[tilespmem:$0x1C000] =	vst v63  }
0x4f: {  	s31 =	simm.s32 $0x3;
	p3 =	sle.s32 s5, $0x3;
	s22 =	simm.s32 $0x100  }
0x50: {  	[tilespmem:s23], [sflag:$0x4] =	stream.indirect.gather [hbm4b:s4+s20], $0x50, s22, s20, $0xb8;
	[tilespmem:$0x1C000] =	vst v63  }
0x51: {  	p1 =	por $0x0, $0x0;
	s3 =	simm.s32 @!p3 $0x80;
	s22 =	simm.s32 @!p3 $0x0  }
0x52: {  	s0 =	simm.s32 @!p3 $0x180;
	s6 =	simm.s32 @!p3 $0xD000  }
0x53: {  	[tilespmem:s6], [sflag:$0x5] =	stream.indirect.gather @!p3 [hbm4b:s4+s3], $0x50, s0, s3, $0xb8;
	[tilespmem:$0x1C000] =	vst v63  }
0x54: {  	_ =	swait.ge [sflag:s24], $0x2800  }
0x55: {  	[sflag:s24] =	ssyncset.done $0x0  }
0x56: {  	s6 =	simm.s32 $0x2C00;
	[sflag:s24] =	ssyncadd.s32 $0xFFFFD800  }
0x57: {  	[spmem:s2] =	stream.indirect.scatter.add.f32 [tilespmem:s18], [sflag:$0x6], $0x50, s6, s20, $0xb8;
	[tilespmem:$0x1C000] =	vst v63  }
0x58: {  	p1 =	sle.s32 s5, $0x4;
	_ =	swait.ge [sflag:s19], $0x2800  }
0x59: {  	s0 =	simm.s32 @!p1 $0x5800;
	[sflag:s19] =	ssyncset.done $0x0  }
0x5a: {  	s3 =	simm.s32 @!p1 $0x200;
	s6 =	simm.s32 @!p1 $0x80;
	[sflag:s19] =	ssyncadd.s32 $0xFFFFD800  }
0x5b: {  	[tilespmem:s0], [sflag:$0x2] =	stream.indirect.gather @!p1 [hbm4b:s4+s6], $0x50, s3, s6, $0xb8;
	[tilespmem:$0x1C000] =	vst v63  }
0x5c: {  	_ =	swait.ge [sflag:s25], $0x2800  }
0x5d: {  	[sflag:s25] =	ssyncset.done $0x0  }
0x5e: {  	s22 =	simm.s32 $0x2C80;
	[sflag:s25] =	ssyncadd.s32 $0xFFFFD800  }
0x5f: {  	[spmem:s2] =	stream.indirect.scatter.add.f32 [tilespmem:s21], [sflag:$0x6], $0x50, s22, s20, $0xb8;
	[tilespmem:$0x1C000] =	vst v63  }
0x60: {  	p1 =	sle.s32 s5, $0x5;
	_ =	swait.ge [sflag:s19], $0x2800  }
0x61: {  	s0 =	simm.s32 @!p1 $0x8000;
	[sflag:s19] =	ssyncset.done $0x0  }
0x62: {  	s3 =	simm.s32 @!p1 $0x280;
	s6 =	simm.s32 @!p1 $0x80;
	[sflag:s19] =	ssyncadd.s32 $0xFFFFD800  }
0x63: {  	[tilespmem:s0], [sflag:$0x3] =	stream.indirect.gather @!p1 [hbm4b:s4+s6], $0x50, s3, s6, $0xb8;
	[tilespmem:$0x1C000] =	vst v63  }
0x64: {  	_ =	swait.ge [sflag:s26], $0x2800  }
0x65: {  	[sflag:s26] =	ssyncset.done $0x0  }
0x66: {  	s3 =	simm.s32 $0x2D00;
	[sflag:s26] =	ssyncadd.s32 $0xFFFFD800  }
0x67: {  	[spmem:s2] =	stream.indirect.scatter.add.f32 [tilespmem:s23], [sflag:$0x6], $0x50, s3, s20, $0xb8;
	[tilespmem:$0x1C000] =	vst v63  }
0x68: {  	p1 =	sle.s32 s5, $0x6;
	_ =	swait.ge [sflag:s19], $0x2800  }
0x69: {  	s1 =	sadd.s32 $0xFFFFFFFF, s1;
	s0 =	simm.s32 @!p1 $0xA800;
	[sflag:s19] =	ssyncset.done $0x0  }
0x6a: {  	s6 =	simm.s32 @!p1 $0x80;
	s3 =	simm.s32 @!p1 $0x300;
	[sflag:s19] =	ssyncadd.s32 $0xFFFFD800  }
0x6b: {  	[tilespmem:s0], [sflag:$0x4] =	stream.indirect.gather @!p1 [hbm4b:s4+s6], $0x50, s3, s6, $0xb8;
	[tilespmem:$0x1C000] =	vst v63  }
0x6c: {  	s31 =	simm.s32 $0x7;
	p2 =	sne.s32 s1, $0x0;
	_ =	swait.ge [sflag:s28], $0x2800  }
.Ltmp2:
0x6d: {  	p3 =	sle.s32 s5, $0x7;
	[sflag:s28] =	ssyncset.done $0x0;
	(pc) =	sbr.rel @!p2 .LBB2_6-.Ltmp2, $4  }
0x6e: {  	s22 =	simm.s32 $0x2D80;
	s6 =	rddreg [dreg:$0x3];
	[sflag:s28] =	ssyncadd.s32 $0xFFFFD800  }
0x6f: {  	[spmem:s2] =	stream.indirect.scatter.add.f32 [tilespmem:s6], [sflag:$0x6], $0x50, s22, s20, $0xb8;
	[tilespmem:$0x1C000] =	vst v63  }
0x70: {  	s30 =	simm.s32 $0x800;
	s3 =	simm.s32 @!p3 $0x80;
	_ =	swait.ge [sflag:s19], $0x2800  }
0x71: {  	p1 =	por $0x1, $0x1;
	s22 =	simm.s32 @!p3 $0x200;
	[sflag:s19] =	ssyncset.done $0x0  }
.LBB2_5:
0x72: {  	s0 =	sadd.s32 @!p3 $0x180, s22;
	s6 =	simm.s32 @!p3 $0xD000;
	[sflag:s19] =	ssyncadd.s32 $0xFFFFD800  }
0x73: {  	[tilespmem:s6], [sflag:$0x5] =	stream.indirect.gather @!p3 [hbm4b:s4+s3], $0x50, s0, s3, $0xb8;
	[tilespmem:$0x1C000] =	vst v63  }
0x74: {  	_ =	swait.ge [sflag:s24], $0x2800  }
0x75: {  	s3 =	sshra.s32 s30, $0x2;
	[sflag:s24] =	ssyncset.done $0x0  }
0x76: {  	s22 =	sadd.s32 $0x1, s31;
	s6 =	sadd.s32 $0x2C00, s3;
	[sflag:s24] =	ssyncadd.s32 $0xFFFFD800  }
0x77: {  	[spmem:s2] =	stream.indirect.scatter.add.f32 [tilespmem:s18], [sflag:$0x6], $0x50, s6, s20, $0xb8;
	[tilespmem:$0x1C000] =	vst v63  }
0x78: {  	p3 =	sge.s32 s22, s5;
	_ =	swait.ge [sflag:s19], $0x2800  }
0x79: {  	s0 =	sshra.s32 @!p3 s30, $0x2;
	s22 =	simm.s32 @!p3 $0x80;
	[sflag:s19] =	ssyncset.done $0x0  }
0x7a: {  	s0 =	sadd.s32 @!p3 $0x200, s0;
	s6 =	simm.s32 @!p3 $0x5800;
	[sflag:s19] =	ssyncadd.s32 $0xFFFFD800  }
0x7b: {  	[tilespmem:s6], [sflag:$0x2] =	stream.indirect.gather @!p3 [hbm4b:s4+s22], $0x50, s0, s22, $0xb8;
	[tilespmem:$0x1C000] =	vst v63  }
0x7c: {  	_ =	swait.ge [sflag:s25], $0x2800  }
0x7d: {  	[sflag:s25] =	ssyncset.done $0x0  }
0x7e: {  	s6 =	sadd.s32 $0x2C80, s3;
	s22 =	sadd.s32 $0x2, s31;
	[sflag:s25] =	ssyncadd.s32 $0xFFFFD800  }
0x7f: {  	[spmem:s2] =	stream.indirect.scatter.add.f32 [tilespmem:s21], [sflag:$0x6], $0x50, s6, s20, $0xb8;
	[tilespmem:$0x1C000] =	vst v63  }
0x80: {  	p3 =	sge.s32 s22, s5;
	_ =	swait.ge [sflag:s19], $0x2800  }
0x81: {  	s0 =	sshra.s32 @!p3 s30, $0x2;
	s22 =	simm.s32 @!p3 $0x80;
	[sflag:s19] =	ssyncset.done $0x0  }
0x82: {  	s0 =	sadd.s32 @!p3 $0x280, s0;
	s6 =	simm.s32 @!p3 $0x8000;
	[sflag:s19] =	ssyncadd.s32 $0xFFFFD800  }
0x83: {  	[tilespmem:s6], [sflag:$0x3] =	stream.indirect.gather @!p3 [hbm4b:s4+s22], $0x50, s0, s22, $0xb8;
	[tilespmem:$0x1C000] =	vst v63  }
0x84: {  	_ =	swait.ge [sflag:s26], $0x2800  }
0x85: {  	[sflag:s26] =	ssyncset.done $0x0  }
0x86: {  	s6 =	sadd.s32 $0x2D00, s3;
	s22 =	sadd.s32 $0x3, s31;
	[sflag:s26] =	ssyncadd.s32 $0xFFFFD800  }
0x87: {  	[spmem:s2] =	stream.indirect.scatter.add.f32 [tilespmem:s23], [sflag:$0x6], $0x50, s6, s20, $0xb8;
	[tilespmem:$0x1C000] =	vst v63  }
0x88: {  	s1 =	sadd.s32 $0xFFFFFFFF, s1;
	p3 =	sge.s32 s22, s5;
	_ =	swait.ge [sflag:s19], $0x2800  }
0x89: {  	s0 =	sshra.s32 @!p3 s30, $0x2;
	s22 =	simm.s32 @!p3 $0x80;
	[sflag:s19] =	ssyncset.done $0x0  }
0x8a: {  	s0 =	sadd.s32 @!p3 $0x300, s0;
	s6 =	simm.s32 @!p3 $0xA800;
	[sflag:s19] =	ssyncadd.s32 $0xFFFFD800  }
0x8b: {  	[tilespmem:s6], [sflag:$0x4] =	stream.indirect.gather @!p3 [hbm4b:s4+s22], $0x50, s0, s22, $0xb8;
	[tilespmem:$0x1C000] =	vst v63  }
0x8c: {  	p2 =	sne.s32 s1, $0x0;
	_ =	swait.ge [sflag:s28], $0x2800  }
.Ltmp3:
0x8d: {  	s3 =	sadd.s32 $0x2D80, s3;
	[sflag:s28] =	ssyncset.done $0x0;
	(pc) =	sbr.rel @p2 .LBB2_5-.Ltmp3, $4  }
0x8e: {  	s31 =	sadd.s32 $0x4, s31;
	s22 =	rddreg [dreg:$0x3];
	[sflag:s28] =	ssyncadd.s32 $0xFFFFD800  }
0x8f: {  	[spmem:s2] =	stream.indirect.scatter.add.f32 [tilespmem:s22], [sflag:$0x6], $0x50, s3, s20, $0xb8;
	[tilespmem:$0x1C000] =	vst v63  }
0x90: {  	s30 =	sadd.s32 $0x800, s30;
	p3 =	sge.s32 s31, s5;
	_ =	swait.ge [sflag:s19], $0x2800  }
0x91: {  	s22 =	sshra.s32 @!p3 s30, $0x2;
	s3 =	simm.s32 @!p3 $0x80;
	[sflag:s19] =	ssyncset.done $0x0  }
.LBB2_6:
0x92: {  	s0 =	sadd.s32 @!p3 $0x180, s22;
	s1 =	simm.s32 @!p3 $0xD000;
	[sflag:s19] =	ssyncadd.s32 @p1 $0xFFFFD800  }
0x93: {  	[tilespmem:s1], [sflag:$0x5] =	stream.indirect.gather @!p3 [hbm4b:s4+s3], $0x50, s0, s3, $0xb8;
	[tilespmem:$0x1C000] =	vst v63  }
0x94: {  	_ =	swait.ge [sflag:s24], $0x2800  }
0x95: {  	s0 =	sshra.s32 s30, $0x2;
	[sflag:s24] =	ssyncset.done $0x0  }
0x96: {  	s22 =	sadd.s32 $0x1, s31;
	s6 =	sadd.s32 $0x2C00, s0;
	[sflag:s24] =	ssyncadd.s32 $0xFFFFD800  }
0x97: {  	[spmem:s2] =	stream.indirect.scatter.add.f32 [tilespmem:s18], [sflag:$0x6], $0x50, s6, s20, $0xb8;
	[tilespmem:$0x1C000] =	vst v63  }
0x98: {  	p1 =	sge.s32 s22, s5;
	_ =	swait.ge [sflag:s19], $0x2800  }
0x99: {  	s1 =	sshra.s32 @!p1 s30, $0x2;
	s3 =	simm.s32 @!p1 $0x5800;
	[sflag:s19] =	ssyncset.done $0x0  }
0x9a: {  	s1 =	sadd.s32 @!p1 $0x200, s1;
	s6 =	simm.s32 @!p1 $0x80;
	[sflag:s19] =	ssyncadd.s32 $0xFFFFD800  }
0x9b: {  	[tilespmem:s3], [sflag:$0x2] =	stream.indirect.gather @!p1 [hbm4b:s4+s6], $0x50, s1, s6, $0xb8;
	[tilespmem:$0x1C000] =	vst v63  }
0x9c: {  	_ =	swait.ge [sflag:s25], $0x2800  }
0x9d: {  	[sflag:s25] =	ssyncset.done $0x0  }
0x9e: {  	s22 =	sadd.s32 $0x2, s31;
	s6 =	sadd.s32 $0x2C80, s0;
	[sflag:s25] =	ssyncadd.s32 $0xFFFFD800  }
0x9f: {  	[spmem:s2] =	stream.indirect.scatter.add.f32 [tilespmem:s21], [sflag:$0x6], $0x50, s6, s20, $0xb8;
	[tilespmem:$0x1C000] =	vst v63  }
0xa0: {  	p1 =	sge.s32 s22, s5;
	_ =	swait.ge [sflag:s19], $0x2800  }
0xa1: {  	s1 =	sshra.s32 @!p1 s30, $0x2;
	s3 =	simm.s32 @!p1 $0x8000;
	[sflag:s19] =	ssyncset.done $0x0  }
0xa2: {  	s1 =	sadd.s32 @!p1 $0x280, s1;
	s6 =	simm.s32 @!p1 $0x80;
	[sflag:s19] =	ssyncadd.s32 $0xFFFFD800  }
0xa3: {  	[tilespmem:s3], [sflag:$0x3] =	stream.indirect.gather @!p1 [hbm4b:s4+s6], $0x50, s1, s6, $0xb8;
	[tilespmem:$0x1C000] =	vst v63  }
0xa4: {  	_ =	swait.ge [sflag:s26], $0x2800  }
0xa5: {  	[sflag:s26] =	ssyncset.done $0x0  }
0xa6: {  	s3 =	sadd.s32 $0x2D00, s0;
	s6 =	sadd.s32 $0x3, s31;
	[sflag:s26] =	ssyncadd.s32 $0xFFFFD800  }
0xa7: {  	[spmem:s2] =	stream.indirect.scatter.add.f32 [tilespmem:s23], [sflag:$0x6], $0x50, s3, s20, $0xb8;
	[tilespmem:$0x1C000] =	vst v63  }
0xa8: {  	p1 =	sge.s32 s6, s5;
	_ =	swait.ge [sflag:s19], $0x2800  }
0xa9: {  	s1 =	sshra.s32 @!p1 s30, $0x2;
	s6 =	simm.s32 @!p1 $0x80;
	[sflag:s19] =	ssyncset.done $0x0  }
0xaa: {  	s1 =	sadd.s32 @!p1 $0x300, s1;
	s3 =	simm.s32 @!p1 $0xA800;
	[sflag:s19] =	ssyncadd.s32 $0xFFFFD800  }
0xab: {  	[tilespmem:s3], [sflag:$0x4] =	stream.indirect.gather @!p1 [hbm4b:s4+s6], $0x50, s1, s6, $0xb8;
	[tilespmem:$0x1C000] =	vst v63  }
0xac: {  	_ =	swait.ge [sflag:s28], $0x2800  }
0xad: {  	[sflag:s28] =	ssyncset.done $0x0  }
0xae: {  	s0 =	sadd.s32 $0x2D80, s0;
	s22 =	rddreg [dreg:$0x3];
	[sflag:s28] =	ssyncadd.s32 $0xFFFFD800  }
0xaf: {  	[spmem:s2] =	stream.indirect.scatter.add.f32 [tilespmem:s22], [sflag:$0x6], $0x50, s0, s20, $0xb8;
	[tilespmem:$0x1C000] =	vst v63  }
0xb0: {  	s29 =	sadd.s32 $0x1, s29;
	_ =	swait.ge [sflag:s19], $0x2800  }
0xb1: {  	s31 =	sshrl.u32 s10, $0x3;
	s30 =	stileid.u32;
	[sflag:s19] =	ssyncset.done $0x0  }
0xb2: {  	p1 =	sne.s32 s29, s17;
	s0 =	sshll.u32 s30, $0x6;
	[sflag:s19] =	ssyncadd.s32 $0xFFFFD800  }
.Ltmp4:
0xb3: {  	s0 =	sor.u32 $0x1C06, s0;
	[bflag:$0x0] =	sbarrier.arrive $0xFFFF;
	(pc) =	sbr.rel @p1 .LBB2_1-.Ltmp4, $4  }
0xb4: {  	[hbm:s16], [sflag:s0] =	dma.local [spmem:s31], $0x1900  }
0xb5: {  	_ =	swait.ge [sflag:s19], $0x1900  }
0xb6: {  	[sflag:s19] =	ssyncset.done $0x0  }
0xb7: {  	[sflag:s19] =	ssyncadd.s32 $0xFFFFE700  }
0xb8: {  	_ =	sfence.sel $0x180000  }
0xb9: {  	[bflag:$0x0] =	sbarrier.arrive $0xFFFF  }
0xba: {  	_ =	strace $0x90000047  }
0xbb: {  	s0 =	stileid.u32;
	[bflag:$0x2] =	sbarrier.arrive $0xFFFF  }
0xbc: {  	p0 =	sne.s32 s0, $0x0;
	s0 =	rddreg [dreg:$0x2]  }
0xbd: {  	s0 =	sadd.s32 @!p0 $0x100000, s0  }
0xbe: {  	[sflag:s0] =	ssyncadd.tile.s32 @!p0 $0x1;
	_ =	shalt  }
.Lfunc_end2:
_tile_overlayer_lowered:
.L_overlay_start_2:
0xbf: {  	(tag) =	ssettag $0x2  }
0xc0: {  	s0 =	rddreg [dreg:$0x0];
	s2 =	stileid.u32  }
0xc1: {  	s1 =	rddreg [dreg:$0x1];
	p0 =	sne.s32 s2, $0x0  }
0xc2: {  	s3 =	rddreg [dreg:$0x2];
	[bflag:$0x3] =	sbarrier.arrive $0xFFFF;
	s2 =	simm.s32 @!p0 $0x1C06  }
0xc3: {  	[timem:s3], [sflag:s2] =	dma.local @!p0 [hbm:s0], s1  }
0xc4: {  	s0 =	simm.s32 @!p0 $0x6  }
0xc5: {  	_ =	swait.ge @!p0 [sflag:s0], s1  }
0xc6: {  	s1 =	ssub.s32 @!p0 $0x0, s1;
	[sflag:s0] =	ssyncset.done @!p0 $0x0  }
0xc7: {  	[sflag:s0] =	ssyncadd.s32 @!p0 s1  }
0xc8: {  	[bflag:$0x3] =	sbarrier.arrive $0xFFFF  }
0xc9: {  	_ =	shalt  }

</sc_bundles>
